<compile_context>
chip_gen: v7x
topology: tpu7x:2x2x1
jax: 0.10.2.dev20260603
libtpu: 0.0.44.dev20260713+nightly
codegen_flags: <defaults>
</compile_context>

<pallas_src>
import functools

import numpy as np

import jax
import jax.numpy as jnp
from jax import lax
from jax.experimental import pallas as pl
from jax.experimental.pallas import tpu as pltpu
from jax.experimental.pallas import tpu_sc as plsc

ROWS = 64
COLS = 32768
L = 16
NV = COLS // L
NB = 1024
BSHIFT = 32 - 10
CAND = 1024
KSEL = 64
INT_MIN = np.int32(-(2 ** 31))
INT_MAXPOS = np.int32(0x7FFFFFFF)


def _skey(v_f32):
    s = lax.bitcast_convert_type(v_f32, jnp.int32)
    return s ^ ((s >> 31) & INT_MAXPOS)


def _row_topk(a_v, n_v, sk_v, hist_v, ck_v, ci_v):
    lanes = lax.iota(jnp.int32, L)
    zeros_i = jnp.zeros((L,), jnp.int32)
    ones_i = jnp.full((L,), 1, jnp.int32)
    ones_f = jnp.full((L,), 1.0, jnp.float32)

    def clear_body(i, _):
        hist_v[pl.ds(i * L, L)] = zeros_i
        return 0

    lax.fori_loop(0, NB * L // L, clear_body, 0)

    def p1_body(i, _):
        g = a_v[pl.ds(i * L, L)] + n_v[pl.ds(i * L, L)]
        sk = _skey(g)
        sk_v[pl.ds(i * L, L)] = sk
        bucket = lax.shift_right_logical(sk ^ INT_MIN, BSHIFT)
        plsc.addupdate_scatter(hist_v, [bucket * L + lanes], ones_i)
        return 0

    lax.fori_loop(0, NV, p1_body, 0)

    def scan_cond(st):
        _, _, found = st
        return jnp.logical_not(found)

    def scan_body(st):
        b, cum, _ = st
        cnt_b = jnp.sum(hist_v[pl.ds(b * L, L)])
        found = cum + cnt_b >= KSEL
        return (jnp.where(found, b, b - 1), jnp.where(found, cum, cum + cnt_b), found)

    b_star, _, _ = lax.while_loop(
        scan_cond, scan_body, (jnp.int32(NB - 1), jnp.int32(0), False))

    slo = (b_star << BSHIFT) ^ INT_MIN

    def col_body(i, cnt):
        sk = sk_v[pl.ds(i * L, L)]
        m = sk >= slo
        mi = jnp.where(m, ones_i, zeros_i)
        pos = cnt + plsc.cumsum(mi) - 1
        m = jnp.logical_and(m, pos < CAND)
        plsc.store_scatter(ck_v, [pos], sk, mask=m)
        plsc.store_scatter(ci_v, [pos], i * L + lanes, mask=m)
        return cnt + jnp.sum(mi)

    cnt = lax.fori_loop(0, NV, col_body, jnp.int32(0))
    n_cand = jnp.minimum(cnt, jnp.int32(CAND))
    plsc.store_scatter(ck_v, [jnp.minimum(n_cand + lanes, jnp.int32(CAND + L - 1))],
                       jnp.full((L,), INT_MIN, jnp.int32))
    nvw = (n_cand + (L - 1)) // L

    def count_gt(x):
        def body(j, acc):
            v = ck_v[pl.ds(j * L, L)]
            return acc + jnp.sum(jnp.where(v > x, ones_i, zeros_i))
        return lax.fori_loop(0, nvw, body, jnp.int32(0))

    def bis_body(_, st):
        lo, hi = st
        mid = lo + (hi - lo + 1) // 2
        c = count_gt(mid)
        take_hi = c < KSEL
        return (jnp.where(take_hi, lo, mid), jnp.where(take_hi, mid, hi))

    lo0 = slo - 1
    hi0 = slo + jnp.int32((1 << BSHIFT) - 1)
    _, tkey = lax.fori_loop(0, BSHIFT + 1, bis_body, (lo0, hi0))

    n_gt = count_gt(tkey)
    need = jnp.int32(KSEL) - n_gt

    def out_body(i, _):
        sk = sk_v[pl.ds(i * L, L)]
        a_v[pl.ds(i * L, L)] = jnp.where(sk > tkey, ones_f, 0.0)
        return 0

    lax.fori_loop(0, NV, out_body, 0)

    def eq_body(j, ecnt):
        v = ck_v[pl.ds(j * L, L)]
        pv = ci_v[pl.ds(j * L, L)]
        em = v == tkey
        emi = jnp.where(em, ones_i, zeros_i)
        pref = ecnt + plsc.cumsum(emi)
        sel = jnp.logical_and(em, pref <= need)
        plsc.store_scatter(a_v, [pv], ones_f, mask=sel)
        return ecnt + jnp.sum(emi)

    lax.fori_loop(0, nvw, eq_body, jnp.int32(0))


def _make_sc_kernel():
    nc, ns = 2, 16
    mesh = plsc.VectorSubcoreMesh(
        core_axis_name="c", subcore_axis_name="s", num_cores=nc, num_subcores=ns)
    rows_per_w = ROWS // (nc * ns)

    @functools.partial(
        pl.kernel,
        out_type=jax.ShapeDtypeStruct((ROWS, COLS), jnp.float32),
        mesh=mesh,
        compiler_params=pltpu.CompilerParams(needs_layout_passes=False),
        scratch_types=[
            pltpu.VMEM((COLS,), jnp.float32),
            pltpu.VMEM((COLS,), jnp.float32),
            pltpu.VMEM((COLS,), jnp.int32),
            pltpu.VMEM((NB * L,), jnp.int32),
            pltpu.VMEM((CAND + L,), jnp.int32),
            pltpu.VMEM((CAND + L,), jnp.int32),
        ],
    )
    def k(logits_hbm, noise_hbm, out_hbm, a_v, n_v, sk_v, hist_v, ck_v, ci_v):
        wid = lax.axis_index("s") * nc + lax.axis_index("c")
        for rr in range(rows_per_w):
            row = wid * rows_per_w + rr
            pltpu.sync_copy(logits_hbm.at[row], a_v)
            pltpu.sync_copy(noise_hbm.at[row], n_v)
            _row_topk(a_v, n_v, sk_v, hist_v, ck_v, ci_v)
            pltpu.sync_copy(a_v, out_hbm.at[row])

    return k


_sc_kernel = None


def kernel(logits):
    global _sc_kernel
    if _sc_kernel is None:
        _sc_kernel = _make_sc_kernel()
    gkey = jax.random.fold_in(jax.random.key(0), 1)
    noise = jax.random.gumbel(gkey, (ROWS, COLS), jnp.float32)
    return _sc_kernel(logits, noise)

# --- scband reference (transcript-rebuilt; emitter-appended) ---
"""Pipeline reference for scband-gumbel-top-k-1348619731468 (READ-ONLY COPY).

The authoritative reference and input builder live on the scoring server;
editing this copy changes nothing except your own understanding.
"""

import jax, jax.numpy as jnp
import numpy as np

K = 64
TAU_START = 1.0
TAU_END = 0.1


def temperature(step=0.0):
    s = min(1.0, float(step) / 100.0)
    return TAU_START * (1 - s) + TAU_END * s


def setup_inputs(seed: int = 0) -> dict:
    key = jax.random.key(seed)
    logits = jax.random.normal(key, (64, 32768), dtype=jnp.float32)
    return {"logits": logits}


def reference(logits):
    # Training-mode path of GumbelTopK (step buffer = 0 -> tau = tau_start = 1.0).
    tau = temperature(0.0)
    # -log(Exp(1)) samples are Gumbel(0,1); use jax.random.gumbel with a fixed key.
    gkey = jax.random.fold_in(jax.random.key(0), 1)
    gumbel_noise = jax.random.gumbel(gkey, logits.shape, dtype=logits.dtype)
    g = (logits + gumbel_noise) / tau
    # sort descending along last dim, keep permutation indices
    order = jnp.argsort(-g, axis=-1)
    sorted_g = jnp.take_along_axis(g, order, axis=-1)
    cumsum = jnp.cumsum(jax.nn.softmax(sorted_g, axis=-1), axis=-1)
    cumsum_mask = (cumsum <= K).astype(sorted_g.dtype)
    sorted_y = cumsum_mask * jax.nn.softmax(sorted_g / tau, axis=-1)
    # scatter sorted values back to original positions (inverse permutation)
    rows = jnp.arange(logits.shape[0])[:, None]
    y = jnp.zeros_like(sorted_y).at[rows, order].set(sorted_y)
    # hard straight-through: one-hot mask of top-k of y
    k = min(K, y.shape[-1])
    _, topk_idx = jax.lax.top_k(y, k)
    y_hard = jnp.zeros_like(y).at[rows, topk_idx].set(1.0)
    return jax.lax.stop_gradient(y_hard - y) + y

if __name__ == "__main__":
    import jax
    _d = setup_inputs()
    print(jax.jit(kernel)(*tuple(_d.values())))

</pallas_src>

<mosaic_0001>
#map = affine_map<(d0, d1) -> (0, 0)>
module attributes {stable_mosaic.version = 14 : i64} {
  func.func @k(%arg0: i32, %arg1: i32, %arg2: memref<64x32768xf32, #tpu.memory_space<hbm>>, %arg3: memref<64x32768xf32, #tpu.memory_space<hbm>>, %arg4: memref<64x32768xf32, #tpu.memory_space<hbm>>, %arg5: memref<32768xf32, #tpu.memory_space<vmem>>, %arg6: memref<32768xf32, #tpu.memory_space<vmem>>, %arg7: memref<32768xi32, #tpu.memory_space<vmem>>, %arg8: memref<16384xi32, #tpu.memory_space<vmem>>, %arg9: memref<1040xi32, #tpu.memory_space<vmem>>, %arg10: memref<1040xi32, #tpu.memory_space<vmem>>) attributes {dimension_semantics = [#tpu.dimension_semantics<core_parallel>, #tpu.dimension_semantics<subcore_parallel>], iteration_bounds = array<i64: 2, 16>, scalar_prefetch = 0 : i64, scratch_operands = 6 : i64, tpu.core_type = #tpu.core_type<sc_vector_subcore>, window_params = [{transform_indices = #map}, {transform_indices = #map}, {transform_indices = #map}]} {
    %mul3A = arith.constant 2 : i32
    %mul3A_0 = arith.muli %arg1, %mul3A : i32
    %add3A = arith.addi %mul3A_0, %arg0 : i32
    %mul3A_1 = arith.constant 2 : i32
    %mul3A_2 = arith.muli %add3A, %mul3A_1 : i32
    %add3A_3 = arith.constant 0 : i32
    %add3A_4 = arith.addi %mul3A_2, %add3A_3 : i32
    "tpu.region"() ({
      %run_scoped3A = tpu.sem_alloc : memref<!tpu.dma_semaphore, #tpu.memory_space<semaphore_mem>>
      %dma_start3A = arith.constant 0 : i32
      %dma_start3A_222 = tpu.memref_slice %arg2[%add3A_4, %dma_start3A] : memref<64x32768xf32, #tpu.memory_space<hbm>> -> memref<1x32768xf32, #tpu.memory_space<hbm>>
      %dma_start3A_223 = tpu.memref_squeeze %dma_start3A_222 : memref<1x32768xf32, #tpu.memory_space<hbm>> -> memref<32768xf32, #tpu.memory_space<hbm>>
      %dma_start3A_224 = arith.constant 0 : i32
      %dma_start3A_225 = tpu.memref_slice %arg2[%add3A_4, %dma_start3A_224] : memref<64x32768xf32, #tpu.memory_space<hbm>> -> memref<1x32768xf32, #tpu.memory_space<hbm>>
      %dma_start3A_226 = tpu.memref_squeeze %dma_start3A_225 : memref<1x32768xf32, #tpu.memory_space<hbm>> -> memref<32768xf32, #tpu.memory_space<hbm>>
      tpu.enqueue_dma source(%dma_start3A_226 : memref<32768xf32, #tpu.memory_space<hbm>>) target(%arg5 : memref<32768xf32, #tpu.memory_space<vmem>>) target_semaphore(%run_scoped3A : memref<!tpu.dma_semaphore, #tpu.memory_space<semaphore_mem>>)
      %dma_wait3A = arith.constant 0 : i32
      %dma_wait3A_227 = tpu.memref_slice %arg2[%add3A_4, %dma_wait3A] : memref<64x32768xf32, #tpu.memory_space<hbm>> -> memref<1x32768xf32, #tpu.memory_space<hbm>>
      %dma_wait3A_228 = tpu.memref_squeeze %dma_wait3A_227 : memref<1x32768xf32, #tpu.memory_space<hbm>> -> memref<32768xf32, #tpu.memory_space<hbm>>
      %dma_wait3A_229 = arith.constant 0 : i32
      %dma_wait3A_230 = tpu.memref_slice %arg2[%add3A_4, %dma_wait3A_229] : memref<64x32768xf32, #tpu.memory_space<hbm>> -> memref<1x32768xf32, #tpu.memory_space<hbm>>
      %dma_wait3A_231 = tpu.memref_squeeze %dma_wait3A_230 : memref<1x32768xf32, #tpu.memory_space<hbm>> -> memref<32768xf32, #tpu.memory_space<hbm>>
      tpu.wait_dma2 semaphore(%run_scoped3A : memref<!tpu.dma_semaphore, #tpu.memory_space<semaphore_mem>>) src(%dma_wait3A_231 : memref<32768xf32, #tpu.memory_space<hbm>>) dst(%arg5 : memref<32768xf32, #tpu.memory_space<vmem>>)
      tpu.yield
    }) : () -> ()
    "tpu.region"() ({
      %run_scoped3A = tpu.sem_alloc : memref<!tpu.dma_semaphore, #tpu.memory_space<semaphore_mem>>
      %dma_start3A = arith.constant 0 : i32
      %dma_start3A_222 = tpu.memref_slice %arg3[%add3A_4, %dma_start3A] : memref<64x32768xf32, #tpu.memory_space<hbm>> -> memref<1x32768xf32, #tpu.memory_space<hbm>>
      %dma_start3A_223 = tpu.memref_squeeze %dma_start3A_222 : memref<1x32768xf32, #tpu.memory_space<hbm>> -> memref<32768xf32, #tpu.memory_space<hbm>>
      %dma_start3A_224 = arith.constant 0 : i32
      %dma_start3A_225 = tpu.memref_slice %arg3[%add3A_4, %dma_start3A_224] : memref<64x32768xf32, #tpu.memory_space<hbm>> -> memref<1x32768xf32, #tpu.memory_space<hbm>>
      %dma_start3A_226 = tpu.memref_squeeze %dma_start3A_225 : memref<1x32768xf32, #tpu.memory_space<hbm>> -> memref<32768xf32, #tpu.memory_space<hbm>>
      tpu.enqueue_dma source(%dma_start3A_226 : memref<32768xf32, #tpu.memory_space<hbm>>) target(%arg6 : memref<32768xf32, #tpu.memory_space<vmem>>) target_semaphore(%run_scoped3A : memref<!tpu.dma_semaphore, #tpu.memory_space<semaphore_mem>>)
      %dma_wait3A = arith.constant 0 : i32
      %dma_wait3A_227 = tpu.memref_slice %arg3[%add3A_4, %dma_wait3A] : memref<64x32768xf32, #tpu.memory_space<hbm>> -> memref<1x32768xf32, #tpu.memory_space<hbm>>
      %dma_wait3A_228 = tpu.memref_squeeze %dma_wait3A_227 : memref<1x32768xf32, #tpu.memory_space<hbm>> -> memref<32768xf32, #tpu.memory_space<hbm>>
      %dma_wait3A_229 = arith.constant 0 : i32
      %dma_wait3A_230 = tpu.memref_slice %arg3[%add3A_4, %dma_wait3A_229] : memref<64x32768xf32, #tpu.memory_space<hbm>> -> memref<1x32768xf32, #tpu.memory_space<hbm>>
      %dma_wait3A_231 = tpu.memref_squeeze %dma_wait3A_230 : memref<1x32768xf32, #tpu.memory_space<hbm>> -> memref<32768xf32, #tpu.memory_space<hbm>>
      tpu.wait_dma2 semaphore(%run_scoped3A : memref<!tpu.dma_semaphore, #tpu.memory_space<semaphore_mem>>) src(%dma_wait3A_231 : memref<32768xf32, #tpu.memory_space<hbm>>) dst(%arg6 : memref<32768xf32, #tpu.memory_space<vmem>>)
      tpu.yield
    }) : () -> ()
    %iota3A = tpu.iota {dimensions = array<i32: 0>} : vector<16xi32>
    %broadcast_in_dim3A = arith.constant 0 : i32
    %broadcast_in_dim3A_5 = vector.broadcast %broadcast_in_dim3A : i32 to vector<16xi32>
    %broadcast_in_dim3A_6 = arith.constant 1 : i32
    %broadcast_in_dim3A_7 = vector.broadcast %broadcast_in_dim3A_6 : i32 to vector<16xi32>
    %broadcast_in_dim3A_8 = arith.constant 1.000000e+00 : f32
    %broadcast_in_dim3A_9 = vector.broadcast %broadcast_in_dim3A_8 : f32 to vector<16xf32>
    %scan3A = arith.constant 0 : i32
    %scan3A_10 = arith.constant 0 : i32
    %scan3A_11 = arith.constant 1024 : i32
    %scan3A_12 = arith.addi %scan3A_10, %scan3A_11 : i32
    %scan3A_13 = arith.constant 1 : i32
    %scan3A_14 = scf.for %scan3A_222 = %scan3A_10 to %scan3A_12 step %scan3A_13 iter_args(%scan3A_223 = %scan3A) -> (i32)  : i32 {
      %mul3A_224 = arith.constant 16 : i32
      %mul3A_225 = arith.muli %scan3A_222, %mul3A_224 : i32
      %swap3A = arith.index_cast %mul3A_225 : i32 to index
      %swap3A_226 = tpu.vector_load %arg8[%swap3A] {strides = array<i32>} : memref<16384xi32, #tpu.memory_space<vmem>>, vector<16xi32>,
      tpu.vector_store %arg8[%swap3A], %broadcast_in_dim3A_5 {strides = array<i32>} : memref<16384xi32, #tpu.memory_space<vmem>>, vector<16xi32>,
      %scan3A_227 = arith.constant 0 : i32
      scf.yield %scan3A_227 : i32
    }
    %scan3A_15 = arith.constant 1024 : i32
    %scan3A_16 = arith.constant 0 : i32
    %scan3A_17 = arith.constant 0 : i32
    %scan3A_18 = arith.constant 2048 : i32
    %scan3A_19 = arith.addi %scan3A_17, %scan3A_18 : i32
    %scan3A_20 = arith.constant 1 : i32
    %scan3A_21 = scf.for %scan3A_222 = %scan3A_17 to %scan3A_19 step %scan3A_20 iter_args(%scan3A_223 = %scan3A_16) -> (i32)  : i32 {
      %mul3A_224 = arith.constant 16 : i32
      %mul3A_225 = arith.muli %scan3A_222, %mul3A_224 : i32
      %get3A = arith.index_cast %mul3A_225 : i32 to index
      %get3A_226 = tpu.vector_load %arg5[%get3A] {strides = array<i32>} : memref<32768xf32, #tpu.memory_space<vmem>>, vector<16xf32>,
      %mul3A_227 = arith.constant 16 : i32
      %mul3A_228 = arith.muli %scan3A_222, %mul3A_227 : i32
      %get3A_229 = arith.index_cast %mul3A_228 : i32 to index
      %get3A_230 = tpu.vector_load %arg6[%get3A_229] {strides = array<i32>} : memref<32768xf32, #tpu.memory_space<vmem>>, vector<16xf32>,
      %add3A_231 = arith.addf %get3A_226, %get3A_230 : vector<16xf32>
      %bitcast_convert_type3A = tpu.bitcast %add3A_231 : vector<16xf32> -> vector<16xi32>
      %shift_right_arithmetic3A = arith.constant 31 : i32
      %shift_right_arithmetic3A_232 = vector.broadcast %shift_right_arithmetic3A : i32 to vector<16xi32>
      %shift_right_arithmetic3A_233 = arith.shrsi %bitcast_convert_type3A, %shift_right_arithmetic3A_232 : vector<16xi32>
      %and3A_234 = arith.constant 2147483647 : i32
      %and3A_235 = vector.broadcast %and3A_234 : i32 to vector<16xi32>
      %and3A_236 = arith.andi %shift_right_arithmetic3A_233, %and3A_235 : vector<16xi32>
      %xor3A_237 = arith.xori %bitcast_convert_type3A, %and3A_236 : vector<16xi32>
      %mul3A_238 = arith.constant 16 : i32
      %mul3A_239 = arith.muli %scan3A_222, %mul3A_238 : i32
      %swap3A = arith.index_cast %mul3A_239 : i32 to index
      %swap3A_240 = tpu.vector_load %arg7[%swap3A] {strides = array<i32>} : memref<32768xi32, #tpu.memory_space<vmem>>, vector<16xi32>,
      tpu.vector_store %arg7[%swap3A], %xor3A_237 {strides = array<i32>} : memref<32768xi32, #tpu.memory_space<vmem>>, vector<16xi32>,
      %xor3A_241 = arith.constant -2147483648 : i32
      %xor3A_242 = vector.broadcast %xor3A_241 : i32 to vector<16xi32>
      %xor3A_243 = arith.xori %xor3A_237, %xor3A_242 : vector<16xi32>
      %shift_right_logical3A = arith.constant 22 : i32
      %shift_right_logical3A_244 = vector.broadcast %shift_right_logical3A : i32 to vector<16xi32>
      %shift_right_logical3A_245 = arith.shrui %xor3A_243, %shift_right_logical3A_244 : vector<16xi32>
      %mul3A_246 = arith.constant 16 : i32
      %mul3A_247 = vector.broadcast %mul3A_246 : i32 to vector<16xi32>
      %mul3A_248 = arith.muli %shift_right_logical3A_245, %mul3A_247 : vector<16xi32>
      %add3A_249 = arith.addi %mul3A_248, %iota3A : vector<16xi32>
      tpu.vector_store_idx %arg8[%add3A_249], %broadcast_in_dim3A_7 {add = true} : memref<16384xi32, #tpu.memory_space<vmem>>[vector<16xi32>], vector<16xi32>,
      %scan3A_250 = arith.constant 0 : i32
      scf.yield %scan3A_250 : i32
    }
    %scan3A_22 = arith.constant 2048 : i32
    %while3A = arith.constant 1023 : i32
    %while3A_23 = arith.constant 0 : i32
    %while3A_24 = arith.constant false
    %while3A_25:3 = scf.while (%while3A_222 = %while3A, %while3A_223 = %while3A_23, %while3A_224 = %while3A_24) : (i32, i32, i1) -> (i32, i32, i1) {
      %not3A = arith.constant true
      %not3A_225 = arith.xori %while3A_224, %not3A : i1
      scf.condition(%not3A_225) %while3A_222, %while3A_223, %while3A_224 : i32, i32, i1
    } do {
    ^bb0(%while3A_222: i32, %while3A_223: i32, %while3A_224: i1):
      %mul3A_225 = arith.constant 16 : i32
      %mul3A_226 = arith.muli %while3A_222, %mul3A_225 : i32
      %get3A = arith.index_cast %mul3A_226 : i32 to index
      %get3A_227 = tpu.vector_load %arg8[%get3A] {strides = array<i32>} : memref<16384xi32, #tpu.memory_space<vmem>>, vector<16xi32>,
      %reduce_sum3A = arith.constant true
      %reduce_sum3A_228 = vector.broadcast %reduce_sum3A : i1 to vector<16xi1>
      %reduce_sum3A_229 = tpu.scan <sum>, %get3A_227 masked %reduce_sum3A_228 : vector<16xi32>, vector<16xi1> -> vector<16xi32>
      %reduce_sum3A_230 = vector.extract %reduce_sum3A_229[15] : i32 from vector<16xi32>
      %add3A_231 = arith.addi %while3A_223, %reduce_sum3A_230 : i32
      %ge3A = arith.constant 64 : i32
      %ge3A_232 = arith.cmpi sge, %add3A_231, %ge3A : i32
      %sub3A_233 = arith.constant 1 : i32
      %sub3A_234 = arith.subi %while3A_222, %sub3A_233 : i32
      %select_n3A_235 = arith.select %ge3A_232, %while3A_222, %sub3A_234 : i32
      %add3A_236 = arith.addi %while3A_223, %reduce_sum3A_230 : i32
      %select_n3A_237 = arith.select %ge3A_232, %while3A_223, %add3A_236 : i32
      scf.yield %select_n3A_235, %select_n3A_237, %ge3A_232 : i32, i32, i1
    }
    %shift_left3A = arith.constant 22 : i32
    %shift_left3A_26 = arith.shli %while3A_25#0, %shift_left3A : i32
    %xor3A = arith.constant -2147483648 : i32
    %xor3A_27 = arith.xori %shift_left3A_26, %xor3A : i32
    %scan3A_28 = arith.constant 0 : i32
    %scan3A_29 = arith.constant 0 : i32
    %scan3A_30 = arith.constant 2048 : i32
    %scan3A_31 = arith.addi %scan3A_29, %scan3A_30 : i32
    %scan3A_32 = arith.constant 1 : i32
    %scan3A_33 = scf.for %scan3A_222 = %scan3A_29 to %scan3A_31 step %scan3A_32 iter_args(%scan3A_223 = %scan3A_28) -> (i32)  : i32 {
      %mul3A_224 = arith.constant 16 : i32
      %mul3A_225 = arith.muli %scan3A_222, %mul3A_224 : i32
      %get3A = arith.index_cast %mul3A_225 : i32 to index
      %get3A_226 = tpu.vector_load %arg7[%get3A] {strides = array<i32>} : memref<32768xi32, #tpu.memory_space<vmem>>, vector<16xi32>,
      %ge3A = vector.broadcast %xor3A_27 : i32 to vector<16xi32>
      %ge3A_227 = arith.cmpi sge, %get3A_226, %ge3A : vector<16xi32>
      %select_n3A_228 = arith.select %ge3A_227, %broadcast_in_dim3A_7, %broadcast_in_dim3A_5 : vector<16xi1>, vector<16xi32>
      %broadcast_in_dim3A_229 = arith.constant true
      %broadcast_in_dim3A_230 = vector.broadcast %broadcast_in_dim3A_229 : i1 to vector<16xi1>
      %masked_cumsum3A = tpu.scan <sum>, %select_n3A_228 masked %broadcast_in_dim3A_230 : vector<16xi32>, vector<16xi1> -> vector<16xi32>
      %add3A_231 = vector.broadcast %scan3A_223 : i32 to vector<16xi32>
      %add3A_232 = arith.addi %add3A_231, %masked_cumsum3A : vector<16xi32>
      %sub3A_233 = arith.constant 1 : i32
      %sub3A_234 = vector.broadcast %sub3A_233 : i32 to vector<16xi32>
      %sub3A_235 = arith.subi %add3A_232, %sub3A_234 : vector<16xi32>
      %lt3A = arith.constant 1024 : i32
      %lt3A_236 = vector.broadcast %lt3A : i32 to vector<16xi32>
      %lt3A_237 = arith.cmpi slt, %sub3A_235, %lt3A_236 : vector<16xi32>
      %and3A_238 = arith.andi %ge3A_227, %lt3A_237 : vector<16xi1>
      tpu.vector_store_idx %arg9[%sub3A_235], %get3A_226 masked %and3A_238 : memref<1040xi32, #tpu.memory_space<vmem>>[vector<16xi32>], vector<16xi32>, vector<16xi1>
      %mul3A_239 = arith.constant 16 : i32
      %mul3A_240 = arith.muli %scan3A_222, %mul3A_239 : i32
      %add3A_241 = vector.broadcast %mul3A_240 : i32 to vector<16xi32>
      %add3A_242 = arith.addi %add3A_241, %iota3A : vector<16xi32>
      tpu.vector_store_idx %arg10[%sub3A_235], %add3A_242 masked %and3A_238 : memref<1040xi32, #tpu.memory_space<vmem>>[vector<16xi32>], vector<16xi32>, vector<16xi1>
      %reduce_sum3A = arith.constant true
      %reduce_sum3A_243 = vector.broadcast %reduce_sum3A : i1 to vector<16xi1>
      %reduce_sum3A_244 = tpu.scan <sum>, %select_n3A_228 masked %reduce_sum3A_243 : vector<16xi32>, vector<16xi1> -> vector<16xi32>
      %reduce_sum3A_245 = vector.extract %reduce_sum3A_244[15] : i32 from vector<16xi32>
      %add3A_246 = arith.addi %scan3A_223, %reduce_sum3A_245 : i32
      scf.yield %add3A_246 : i32
    }
    %scan3A_34 = arith.constant 2048 : i32
    %min3A = arith.constant 1024 : i32
    %min3A_35 = arith.minsi %scan3A_33, %min3A : i32
    %add3A_36 = vector.broadcast %min3A_35 : i32 to vector<16xi32>
    %add3A_37 = arith.addi %add3A_36, %iota3A : vector<16xi32>
    %min3A_38 = arith.constant 1039 : i32
    %min3A_39 = vector.broadcast %min3A_38 : i32 to vector<16xi32>
    %min3A_40 = arith.minsi %add3A_37, %min3A_39 : vector<16xi32>
    %broadcast_in_dim3A_41 = arith.constant -2147483648 : i32
    %broadcast_in_dim3A_42 = vector.broadcast %broadcast_in_dim3A_41 : i32 to vector<16xi32>
    tpu.vector_store_idx %arg9[%min3A_40], %broadcast_in_dim3A_42 : memref<1040xi32, #tpu.memory_space<vmem>>[vector<16xi32>], vector<16xi32>,
    %add3A_43 = arith.constant 15 : i32
    %add3A_44 = arith.addi %min3A_35, %add3A_43 : i32
    %jit3A = arith.constant 16 : i32
    %div3A = arith.divsi %add3A_44, %jit3A : i32
    %sign3A = arith.constant 0 : i32
    %sign3A_45 = arith.cmpi sgt, %add3A_44, %sign3A : i32
    %sign3A_46 = arith.extui %sign3A_45 : i1 to i32
    %sign3A_47 = arith.constant 0 : i32
    %sign3A_48 = arith.cmpi slt, %add3A_44, %sign3A_47 : i32
    %sign3A_49 = arith.extui %sign3A_48 : i1 to i32
    %sign3A_50 = arith.subi %sign3A_46, %sign3A_49 : i32
    %sign3A_51 = arith.constant 0 : i32
    %sign3A_52 = arith.cmpi sgt, %jit3A, %sign3A_51 : i32
    %sign3A_53 = arith.extui %sign3A_52 : i1 to i32
    %sign3A_54 = arith.constant 0 : i32
    %sign3A_55 = arith.cmpi slt, %jit3A, %sign3A_54 : i32
    %sign3A_56 = arith.extui %sign3A_55 : i1 to i32
    %sign3A_57 = arith.subi %sign3A_53, %sign3A_56 : i32
    %ne3A = arith.cmpi ne, %sign3A_50, %sign3A_57 : i32
    %rem3A = arith.remsi %add3A_44, %jit3A : i32
    %ne3A_58 = arith.constant 0 : i32
    %ne3A_59 = arith.cmpi ne, %rem3A, %ne3A_58 : i32
    %and3A = arith.andi %ne3A, %ne3A_59 : i1
    %sub3A = arith.constant 1 : i32
    %sub3A_60 = arith.subi %div3A, %sub3A : i32
    %select_n3A = arith.select %and3A, %sub3A_60, %div3A : i32
    %sub3A_61 = arith.constant 1 : i32
    %sub3A_62 = arith.subi %xor3A_27, %sub3A_61 : i32
    %add3A_63 = arith.constant 4194303 : i32
    %add3A_64 = arith.addi %xor3A_27, %add3A_63 : i32
    %scan3A_65 = arith.constant 0 : i32
    %scan3A_66 = arith.constant 23 : i32
    %scan3A_67 = arith.addi %scan3A_65, %scan3A_66 : i32
    %scan3A_68 = arith.constant 1 : i32
    %scan3A_69:2 = scf.for %scan3A_222 = %scan3A_65 to %scan3A_67 step %scan3A_68 iter_args(%scan3A_223 = %sub3A_62, %scan3A_224 = %add3A_64) -> (i32, i32)  : i32 {
      %sub3A_225 = arith.subi %scan3A_224, %scan3A_223 : i32
      %add3A_226 = arith.constant 1 : i32
      %add3A_227 = arith.addi %sub3A_225, %add3A_226 : i32
      %jit3A_228 = arith.constant 2 : i32
      %div3A_229 = arith.divsi %add3A_227, %jit3A_228 : i32
      %sign3A_230 = arith.constant 0 : i32
      %sign3A_231 = arith.cmpi sgt, %add3A_227, %sign3A_230 : i32
      %sign3A_232 = arith.extui %sign3A_231 : i1 to i32
      %sign3A_233 = arith.constant 0 : i32
      %sign3A_234 = arith.cmpi slt, %add3A_227, %sign3A_233 : i32
      %sign3A_235 = arith.extui %sign3A_234 : i1 to i32
      %sign3A_236 = arith.subi %sign3A_232, %sign3A_235 : i32
      %sign3A_237 = arith.constant 0 : i32
      %sign3A_238 = arith.cmpi sgt, %jit3A_228, %sign3A_237 : i32
      %sign3A_239 = arith.extui %sign3A_238 : i1 to i32
      %sign3A_240 = arith.constant 0 : i32
      %sign3A_241 = arith.cmpi slt, %jit3A_228, %sign3A_240 : i32
      %sign3A_242 = arith.extui %sign3A_241 : i1 to i32
      %sign3A_243 = arith.subi %sign3A_239, %sign3A_242 : i32
      %ne3A_244 = arith.cmpi ne, %sign3A_236, %sign3A_243 : i32
      %rem3A_245 = arith.remsi %add3A_227, %jit3A_228 : i32
      %ne3A_246 = arith.constant 0 : i32
      %ne3A_247 = arith.cmpi ne, %rem3A_245, %ne3A_246 : i32
      %and3A_248 = arith.andi %ne3A_244, %ne3A_247 : i1
      %sub3A_249 = arith.constant 1 : i32
      %sub3A_250 = arith.subi %div3A_229, %sub3A_249 : i32
      %select_n3A_251 = arith.select %and3A_248, %sub3A_250, %div3A_229 : i32
      %add3A_252 = arith.addi %scan3A_223, %select_n3A_251 : i32
      %while3A_253 = arith.constant 0 : i32
      %while3A_254 = arith.constant 0 : i32
      %while3A_255 = arith.subi %select_n3A, %while3A_253 : i32
      %while3A_256 = arith.addi %while3A_253, %while3A_255 : i32
      %while3A_257 = arith.constant 1 : i32
      %while3A_258 = arith.divsi %while3A_255, %while3A_257 : i32
      %while3A_259 = arith.muli %while3A_258, %while3A_257 : i32
      %while3A_260 = arith.addi %while3A_253, %while3A_259 : i32
      %while3A_261 = arith.constant 1 : i32
      %while3A_262 = scf.for %while3A_268 = %while3A_253 to %while3A_260 step %while3A_261 iter_args(%while3A_269 = %while3A_254) -> (i32)  : i32 {
        %mul3A_270 = arith.constant 16 : i32
        %mul3A_271 = arith.muli %while3A_268, %mul3A_270 : i32
        %get3A = arith.index_cast %mul3A_271 : i32 to index
        %get3A_272 = tpu.vector_load %arg9[%get3A] {strides = array<i32>} : memref<1040xi32, #tpu.memory_space<vmem>>, vector<16xi32>,
        %gt3A = vector.broadcast %add3A_252 : i32 to vector<16xi32>
        %gt3A_273 = arith.cmpi sgt, %get3A_272, %gt3A : vector<16xi32>
        %select_n3A_274 = arith.select %gt3A_273, %broadcast_in_dim3A_7, %broadcast_in_dim3A_5 : vector<16xi1>, vector<16xi32>
        %reduce_sum3A = arith.constant true
        %reduce_sum3A_275 = vector.broadcast %reduce_sum3A : i1 to vector<16xi1>
        %reduce_sum3A_276 = tpu.scan <sum>, %select_n3A_274 masked %reduce_sum3A_275 : vector<16xi32>, vector<16xi1> -> vector<16xi32>
        %reduce_sum3A_277 = vector.extract %reduce_sum3A_276[15] : i32 from vector<16xi32>
        %add3A_278 = arith.addi %while3A_269, %reduce_sum3A_277 : i32
        scf.yield %add3A_278 : i32
      }
      %while3A_263 = arith.constant 1 : i32
      %while3A_264 = scf.for %while3A_268 = %while3A_260 to %while3A_256 step %while3A_263 iter_args(%while3A_269 = %while3A_262) -> (i32)  : i32 {
        %mul3A_270 = arith.constant 16 : i32
        %mul3A_271 = arith.muli %while3A_268, %mul3A_270 : i32
        %get3A = arith.index_cast %mul3A_271 : i32 to index
        %get3A_272 = tpu.vector_load %arg9[%get3A] {strides = array<i32>} : memref<1040xi32, #tpu.memory_space<vmem>>, vector<16xi32>,
        %gt3A = vector.broadcast %add3A_252 : i32 to vector<16xi32>
        %gt3A_273 = arith.cmpi sgt, %get3A_272, %gt3A : vector<16xi32>
        %select_n3A_274 = arith.select %gt3A_273, %broadcast_in_dim3A_7, %broadcast_in_dim3A_5 : vector<16xi1>, vector<16xi32>
        %reduce_sum3A = arith.constant true
        %reduce_sum3A_275 = vector.broadcast %reduce_sum3A : i1 to vector<16xi1>
        %reduce_sum3A_276 = tpu.scan <sum>, %select_n3A_274 masked %reduce_sum3A_275 : vector<16xi32>, vector<16xi1> -> vector<16xi32>
        %reduce_sum3A_277 = vector.extract %reduce_sum3A_276[15] : i32 from vector<16xi32>
        %add3A_278 = arith.addi %while3A_269, %reduce_sum3A_277 : i32
        scf.yield %add3A_278 : i32
      }
      %lt3A = arith.constant 64 : i32
      %lt3A_265 = arith.cmpi slt, %while3A_264, %lt3A : i32
      %select_n3A_266 = arith.select %lt3A_265, %scan3A_223, %add3A_252 : i32
      %select_n3A_267 = arith.select %lt3A_265, %add3A_252, %scan3A_224 : i32
      scf.yield %select_n3A_266, %select_n3A_267 : i32, i32
    }
    %scan3A_70 = arith.constant 23 : i32
    %while3A_71 = arith.constant 0 : i32
    %while3A_72 = arith.constant 0 : i32
    %while3A_73 = arith.subi %select_n3A, %while3A_71 : i32
    %while3A_74 = arith.addi %while3A_71, %while3A_73 : i32
    %while3A_75 = arith.constant 1 : i32
    %while3A_76 = arith.divsi %while3A_73, %while3A_75 : i32
    %while3A_77 = arith.muli %while3A_76, %while3A_75 : i32
    %while3A_78 = arith.addi %while3A_71, %while3A_77 : i32
    %while3A_79 = arith.constant 1 : i32
    %while3A_80 = scf.for %while3A_222 = %while3A_71 to %while3A_78 step %while3A_79 iter_args(%while3A_223 = %while3A_72) -> (i32)  : i32 {
      %mul3A_224 = arith.constant 16 : i32
      %mul3A_225 = arith.muli %while3A_222, %mul3A_224 : i32
      %get3A = arith.index_cast %mul3A_225 : i32 to index
      %get3A_226 = tpu.vector_load %arg9[%get3A] {strides = array<i32>} : memref<1040xi32, #tpu.memory_space<vmem>>, vector<16xi32>,
      %gt3A = vector.broadcast %scan3A_69#1 : i32 to vector<16xi32>
      %gt3A_227 = arith.cmpi sgt, %get3A_226, %gt3A : vector<16xi32>
      %select_n3A_228 = arith.select %gt3A_227, %broadcast_in_dim3A_7, %broadcast_in_dim3A_5 : vector<16xi1>, vector<16xi32>
      %reduce_sum3A = arith.constant true
      %reduce_sum3A_229 = vector.broadcast %reduce_sum3A : i1 to vector<16xi1>
      %reduce_sum3A_230 = tpu.scan <sum>, %select_n3A_228 masked %reduce_sum3A_229 : vector<16xi32>, vector<16xi1> -> vector<16xi32>
      %reduce_sum3A_231 = vector.extract %reduce_sum3A_230[15] : i32 from vector<16xi32>
      %add3A_232 = arith.addi %while3A_223, %reduce_sum3A_231 : i32
      scf.yield %add3A_232 : i32
    }
    %while3A_81 = arith.constant 1 : i32
    %while3A_82 = scf.for %while3A_222 = %while3A_78 to %while3A_74 step %while3A_81 iter_args(%while3A_223 = %while3A_80) -> (i32)  : i32 {
      %mul3A_224 = arith.constant 16 : i32
      %mul3A_225 = arith.muli %while3A_222, %mul3A_224 : i32
      %get3A = arith.index_cast %mul3A_225 : i32 to index
      %get3A_226 = tpu.vector_load %arg9[%get3A] {strides = array<i32>} : memref<1040xi32, #tpu.memory_space<vmem>>, vector<16xi32>,
      %gt3A = vector.broadcast %scan3A_69#1 : i32 to vector<16xi32>
      %gt3A_227 = arith.cmpi sgt, %get3A_226, %gt3A : vector<16xi32>
      %select_n3A_228 = arith.select %gt3A_227, %broadcast_in_dim3A_7, %broadcast_in_dim3A_5 : vector<16xi1>, vector<16xi32>
      %reduce_sum3A = arith.constant true
      %reduce_sum3A_229 = vector.broadcast %reduce_sum3A : i1 to vector<16xi1>
      %reduce_sum3A_230 = tpu.scan <sum>, %select_n3A_228 masked %reduce_sum3A_229 : vector<16xi32>, vector<16xi1> -> vector<16xi32>
      %reduce_sum3A_231 = vector.extract %reduce_sum3A_230[15] : i32 from vector<16xi32>
      %add3A_232 = arith.addi %while3A_223, %reduce_sum3A_231 : i32
      scf.yield %add3A_232 : i32
    }
    %sub3A_83 = arith.constant 64 : i32
    %sub3A_84 = arith.subi %sub3A_83, %while3A_82 : i32
    %scan3A_85 = arith.constant 0 : i32
    %scan3A_86 = arith.constant 0 : i32
    %scan3A_87 = arith.constant 2048 : i32
    %scan3A_88 = arith.addi %scan3A_86, %scan3A_87 : i32
    %scan3A_89 = arith.constant 1 : i32
    %scan3A_90 = scf.for %scan3A_222 = %scan3A_86 to %scan3A_88 step %scan3A_89 iter_args(%scan3A_223 = %scan3A_85) -> (i32)  : i32 {
      %mul3A_224 = arith.constant 16 : i32
      %mul3A_225 = arith.muli %scan3A_222, %mul3A_224 : i32
      %get3A = arith.index_cast %mul3A_225 : i32 to index
      %get3A_226 = tpu.vector_load %arg7[%get3A] {strides = array<i32>} : memref<32768xi32, #tpu.memory_space<vmem>>, vector<16xi32>,
      %gt3A = vector.broadcast %scan3A_69#1 : i32 to vector<16xi32>
      %gt3A_227 = arith.cmpi sgt, %get3A_226, %gt3A : vector<16xi32>
      %jit3A_228 = arith.constant 0.000000e+00 : f32
      %broadcast_in_dim3A_229 = vector.broadcast %jit3A_228 : f32 to vector<16xf32>
      %select_n3A_230 = arith.select %gt3A_227, %broadcast_in_dim3A_9, %broadcast_in_dim3A_229 : vector<16xi1>, vector<16xf32>
      %mul3A_231 = arith.constant 16 : i32
      %mul3A_232 = arith.muli %scan3A_222, %mul3A_231 : i32
      %swap3A = arith.index_cast %mul3A_232 : i32 to index
      %swap3A_233 = tpu.vector_load %arg5[%swap3A] {strides = array<i32>} : memref<32768xf32, #tpu.memory_space<vmem>>, vector<16xf32>,
      tpu.vector_store %arg5[%swap3A], %select_n3A_230 {strides = array<i32>} : memref<32768xf32, #tpu.memory_space<vmem>>, vector<16xf32>,
      %scan3A_234 = arith.constant 0 : i32
      scf.yield %scan3A_234 : i32
    }
    %scan3A_91 = arith.constant 2048 : i32
    %while3A_92 = arith.constant 0 : i32
    %while3A_93 = arith.constant 0 : i32
    %while3A_94 = arith.subi %select_n3A, %while3A_92 : i32
    %while3A_95 = arith.addi %while3A_92, %while3A_94 : i32
    %while3A_96 = arith.constant 1 : i32
    %while3A_97 = arith.divsi %while3A_94, %while3A_96 : i32
    %while3A_98 = arith.muli %while3A_97, %while3A_96 : i32
    %while3A_99 = arith.addi %while3A_92, %while3A_98 : i32
    %while3A_100 = arith.constant 1 : i32
    %while3A_101 = scf.for %while3A_222 = %while3A_92 to %while3A_99 step %while3A_100 iter_args(%while3A_223 = %while3A_93) -> (i32)  : i32 {
      %mul3A_224 = arith.constant 16 : i32
      %mul3A_225 = arith.muli %while3A_222, %mul3A_224 : i32
      %get3A = arith.index_cast %mul3A_225 : i32 to index
      %get3A_226 = tpu.vector_load %arg9[%get3A] {strides = array<i32>} : memref<1040xi32, #tpu.memory_space<vmem>>, vector<16xi32>,
      %mul3A_227 = arith.constant 16 : i32
      %mul3A_228 = arith.muli %while3A_222, %mul3A_227 : i32
      %get3A_229 = arith.index_cast %mul3A_228 : i32 to index
      %get3A_230 = tpu.vector_load %arg10[%get3A_229] {strides = array<i32>} : memref<1040xi32, #tpu.memory_space<vmem>>, vector<16xi32>,
      %eq3A = vector.broadcast %scan3A_69#1 : i32 to vector<16xi32>
      %eq3A_231 = arith.cmpi eq, %get3A_226, %eq3A : vector<16xi32>
      %select_n3A_232 = arith.select %eq3A_231, %broadcast_in_dim3A_7, %broadcast_in_dim3A_5 : vector<16xi1>, vector<16xi32>
      %broadcast_in_dim3A_233 = arith.constant true
      %broadcast_in_dim3A_234 = vector.broadcast %broadcast_in_dim3A_233 : i1 to vector<16xi1>
      %masked_cumsum3A = tpu.scan <sum>, %select_n3A_232 masked %broadcast_in_dim3A_234 : vector<16xi32>, vector<16xi1> -> vector<16xi32>
      %add3A_235 = vector.broadcast %while3A_223 : i32 to vector<16xi32>
      %add3A_236 = arith.addi %add3A_235, %masked_cumsum3A : vector<16xi32>
      %le3A = vector.broadcast %sub3A_84 : i32 to vector<16xi32>
      %le3A_237 = arith.cmpi sle, %add3A_236, %le3A : vector<16xi32>
      %and3A_238 = arith.andi %eq3A_231, %le3A_237 : vector<16xi1>
      tpu.vector_store_idx %arg5[%get3A_230], %broadcast_in_dim3A_9 masked %and3A_238 : memref<32768xf32, #tpu.memory_space<vmem>>[vector<16xi32>], vector<16xf32>, vector<16xi1>
      %reduce_sum3A = arith.constant true
      %reduce_sum3A_239 = vector.broadcast %reduce_sum3A : i1 to vector<16xi1>
      %reduce_sum3A_240 = tpu.scan <sum>, %select_n3A_232 masked %reduce_sum3A_239 : vector<16xi32>, vector<16xi1> -> vector<16xi32>
      %reduce_sum3A_241 = vector.extract %reduce_sum3A_240[15] : i32 from vector<16xi32>
      %add3A_242 = arith.addi %while3A_223, %reduce_sum3A_241 : i32
      scf.yield %add3A_242 : i32
    }
    %while3A_102 = arith.constant 1 : i32
    %while3A_103 = scf.for %while3A_222 = %while3A_99 to %while3A_95 step %while3A_102 iter_args(%while3A_223 = %while3A_101) -> (i32)  : i32 {
      %mul3A_224 = arith.constant 16 : i32
      %mul3A_225 = arith.muli %while3A_222, %mul3A_224 : i32
      %get3A = arith.index_cast %mul3A_225 : i32 to index
      %get3A_226 = tpu.vector_load %arg9[%get3A] {strides = array<i32>} : memref<1040xi32, #tpu.memory_space<vmem>>, vector<16xi32>,
      %mul3A_227 = arith.constant 16 : i32
      %mul3A_228 = arith.muli %while3A_222, %mul3A_227 : i32
      %get3A_229 = arith.index_cast %mul3A_228 : i32 to index
      %get3A_230 = tpu.vector_load %arg10[%get3A_229] {strides = array<i32>} : memref<1040xi32, #tpu.memory_space<vmem>>, vector<16xi32>,
      %eq3A = vector.broadcast %scan3A_69#1 : i32 to vector<16xi32>
      %eq3A_231 = arith.cmpi eq, %get3A_226, %eq3A : vector<16xi32>
      %select_n3A_232 = arith.select %eq3A_231, %broadcast_in_dim3A_7, %broadcast_in_dim3A_5 : vector<16xi1>, vector<16xi32>
      %broadcast_in_dim3A_233 = arith.constant true
      %broadcast_in_dim3A_234 = vector.broadcast %broadcast_in_dim3A_233 : i1 to vector<16xi1>
      %masked_cumsum3A = tpu.scan <sum>, %select_n3A_232 masked %broadcast_in_dim3A_234 : vector<16xi32>, vector<16xi1> -> vector<16xi32>
      %add3A_235 = vector.broadcast %while3A_223 : i32 to vector<16xi32>
      %add3A_236 = arith.addi %add3A_235, %masked_cumsum3A : vector<16xi32>
      %le3A = vector.broadcast %sub3A_84 : i32 to vector<16xi32>
      %le3A_237 = arith.cmpi sle, %add3A_236, %le3A : vector<16xi32>
      %and3A_238 = arith.andi %eq3A_231, %le3A_237 : vector<16xi1>
      tpu.vector_store_idx %arg5[%get3A_230], %broadcast_in_dim3A_9 masked %and3A_238 : memref<32768xf32, #tpu.memory_space<vmem>>[vector<16xi32>], vector<16xf32>, vector<16xi1>
      %reduce_sum3A = arith.constant true
      %reduce_sum3A_239 = vector.broadcast %reduce_sum3A : i1 to vector<16xi1>
      %reduce_sum3A_240 = tpu.scan <sum>, %select_n3A_232 masked %reduce_sum3A_239 : vector<16xi32>, vector<16xi1> -> vector<16xi32>
      %reduce_sum3A_241 = vector.extract %reduce_sum3A_240[15] : i32 from vector<16xi32>
      %add3A_242 = arith.addi %while3A_223, %reduce_sum3A_241 : i32
      scf.yield %add3A_242 : i32
    }
    "tpu.region"() ({
      %run_scoped3A = tpu.sem_alloc : memref<!tpu.dma_semaphore, #tpu.memory_space<semaphore_mem>>
      %dma_start3A = arith.constant 0 : i32
      %dma_start3A_222 = tpu.memref_slice %arg4[%add3A_4, %dma_start3A] : memref<64x32768xf32, #tpu.memory_space<hbm>> -> memref<1x32768xf32, #tpu.memory_space<hbm>>
      %dma_start3A_223 = tpu.memref_squeeze %dma_start3A_222 : memref<1x32768xf32, #tpu.memory_space<hbm>> -> memref<32768xf32, #tpu.memory_space<hbm>>
      %dma_start3A_224 = arith.constant 0 : i32
      %dma_start3A_225 = tpu.memref_slice %arg4[%add3A_4, %dma_start3A_224] : memref<64x32768xf32, #tpu.memory_space<hbm>> -> memref<1x32768xf32, #tpu.memory_space<hbm>>
      %dma_start3A_226 = tpu.memref_squeeze %dma_start3A_225 : memref<1x32768xf32, #tpu.memory_space<hbm>> -> memref<32768xf32, #tpu.memory_space<hbm>>
      tpu.enqueue_dma source(%arg5 : memref<32768xf32, #tpu.memory_space<vmem>>) target(%dma_start3A_226 : memref<32768xf32, #tpu.memory_space<hbm>>) target_semaphore(%run_scoped3A : memref<!tpu.dma_semaphore, #tpu.memory_space<semaphore_mem>>)
      %dma_wait3A = arith.constant 0 : i32
      %dma_wait3A_227 = tpu.memref_slice %arg4[%add3A_4, %dma_wait3A] : memref<64x32768xf32, #tpu.memory_space<hbm>> -> memref<1x32768xf32, #tpu.memory_space<hbm>>
      %dma_wait3A_228 = tpu.memref_squeeze %dma_wait3A_227 : memref<1x32768xf32, #tpu.memory_space<hbm>> -> memref<32768xf32, #tpu.memory_space<hbm>>
      %dma_wait3A_229 = arith.constant 0 : i32
      %dma_wait3A_230 = tpu.memref_slice %arg4[%add3A_4, %dma_wait3A_229] : memref<64x32768xf32, #tpu.memory_space<hbm>> -> memref<1x32768xf32, #tpu.memory_space<hbm>>
      %dma_wait3A_231 = tpu.memref_squeeze %dma_wait3A_230 : memref<1x32768xf32, #tpu.memory_space<hbm>> -> memref<32768xf32, #tpu.memory_space<hbm>>
      tpu.wait_dma2 semaphore(%run_scoped3A : memref<!tpu.dma_semaphore, #tpu.memory_space<semaphore_mem>>) src(%arg5 : memref<32768xf32, #tpu.memory_space<vmem>>) dst(%dma_wait3A_231 : memref<32768xf32, #tpu.memory_space<hbm>>)
      tpu.yield
    }) : () -> ()
    %mul3A_104 = arith.constant 2 : i32
    %mul3A_105 = arith.muli %add3A, %mul3A_104 : i32
    %add3A_106 = arith.constant 1 : i32
    %add3A_107 = arith.addi %mul3A_105, %add3A_106 : i32
    "tpu.region"() ({
      %run_scoped3A = tpu.sem_alloc : memref<!tpu.dma_semaphore, #tpu.memory_space<semaphore_mem>>
      %dma_start3A = arith.constant 0 : i32
      %dma_start3A_222 = tpu.memref_slice %arg2[%add3A_107, %dma_start3A] : memref<64x32768xf32, #tpu.memory_space<hbm>> -> memref<1x32768xf32, #tpu.memory_space<hbm>>
      %dma_start3A_223 = tpu.memref_squeeze %dma_start3A_222 : memref<1x32768xf32, #tpu.memory_space<hbm>> -> memref<32768xf32, #tpu.memory_space<hbm>>
      %dma_start3A_224 = arith.constant 0 : i32
      %dma_start3A_225 = tpu.memref_slice %arg2[%add3A_107, %dma_start3A_224] : memref<64x32768xf32, #tpu.memory_space<hbm>> -> memref<1x32768xf32, #tpu.memory_space<hbm>>
      %dma_start3A_226 = tpu.memref_squeeze %dma_start3A_225 : memref<1x32768xf32, #tpu.memory_space<hbm>> -> memref<32768xf32, #tpu.memory_space<hbm>>
      tpu.enqueue_dma source(%dma_start3A_226 : memref<32768xf32, #tpu.memory_space<hbm>>) target(%arg5 : memref<32768xf32, #tpu.memory_space<vmem>>) target_semaphore(%run_scoped3A : memref<!tpu.dma_semaphore, #tpu.memory_space<semaphore_mem>>)
      %dma_wait3A = arith.constant 0 : i32
      %dma_wait3A_227 = tpu.memref_slice %arg2[%add3A_107, %dma_wait3A] : memref<64x32768xf32, #tpu.memory_space<hbm>> -> memref<1x32768xf32, #tpu.memory_space<hbm>>
      %dma_wait3A_228 = tpu.memref_squeeze %dma_wait3A_227 : memref<1x32768xf32, #tpu.memory_space<hbm>> -> memref<32768xf32, #tpu.memory_space<hbm>>
      %dma_wait3A_229 = arith.constant 0 : i32
      %dma_wait3A_230 = tpu.memref_slice %arg2[%add3A_107, %dma_wait3A_229] : memref<64x32768xf32, #tpu.memory_space<hbm>> -> memref<1x32768xf32, #tpu.memory_space<hbm>>
      %dma_wait3A_231 = tpu.memref_squeeze %dma_wait3A_230 : memref<1x32768xf32, #tpu.memory_space<hbm>> -> memref<32768xf32, #tpu.memory_space<hbm>>
      tpu.wait_dma2 semaphore(%run_scoped3A : memref<!tpu.dma_semaphore, #tpu.memory_space<semaphore_mem>>) src(%dma_wait3A_231 : memref<32768xf32, #tpu.memory_space<hbm>>) dst(%arg5 : memref<32768xf32, #tpu.memory_space<vmem>>)
      tpu.yield
    }) : () -> ()
    "tpu.region"() ({
      %run_scoped3A = tpu.sem_alloc : memref<!tpu.dma_semaphore, #tpu.memory_space<semaphore_mem>>
      %dma_start3A = arith.constant 0 : i32
      %dma_start3A_222 = tpu.memref_slice %arg3[%add3A_107, %dma_start3A] : memref<64x32768xf32, #tpu.memory_space<hbm>> -> memref<1x32768xf32, #tpu.memory_space<hbm>>
      %dma_start3A_223 = tpu.memref_squeeze %dma_start3A_222 : memref<1x32768xf32, #tpu.memory_space<hbm>> -> memref<32768xf32, #tpu.memory_space<hbm>>
      %dma_start3A_224 = arith.constant 0 : i32
      %dma_start3A_225 = tpu.memref_slice %arg3[%add3A_107, %dma_start3A_224] : memref<64x32768xf32, #tpu.memory_space<hbm>> -> memref<1x32768xf32, #tpu.memory_space<hbm>>
      %dma_start3A_226 = tpu.memref_squeeze %dma_start3A_225 : memref<1x32768xf32, #tpu.memory_space<hbm>> -> memref<32768xf32, #tpu.memory_space<hbm>>
      tpu.enqueue_dma source(%dma_start3A_226 : memref<32768xf32, #tpu.memory_space<hbm>>) target(%arg6 : memref<32768xf32, #tpu.memory_space<vmem>>) target_semaphore(%run_scoped3A : memref<!tpu.dma_semaphore, #tpu.memory_space<semaphore_mem>>)
      %dma_wait3A = arith.constant 0 : i32
      %dma_wait3A_227 = tpu.memref_slice %arg3[%add3A_107, %dma_wait3A] : memref<64x32768xf32, #tpu.memory_space<hbm>> -> memref<1x32768xf32, #tpu.memory_space<hbm>>
      %dma_wait3A_228 = tpu.memref_squeeze %dma_wait3A_227 : memref<1x32768xf32, #tpu.memory_space<hbm>> -> memref<32768xf32, #tpu.memory_space<hbm>>
      %dma_wait3A_229 = arith.constant 0 : i32
      %dma_wait3A_230 = tpu.memref_slice %arg3[%add3A_107, %dma_wait3A_229] : memref<64x32768xf32, #tpu.memory_space<hbm>> -> memref<1x32768xf32, #tpu.memory_space<hbm>>
      %dma_wait3A_231 = tpu.memref_squeeze %dma_wait3A_230 : memref<1x32768xf32, #tpu.memory_space<hbm>> -> memref<32768xf32, #tpu.memory_space<hbm>>
      tpu.wait_dma2 semaphore(%run_scoped3A : memref<!tpu.dma_semaphore, #tpu.memory_space<semaphore_mem>>) src(%dma_wait3A_231 : memref<32768xf32, #tpu.memory_space<hbm>>) dst(%arg6 : memref<32768xf32, #tpu.memory_space<vmem>>)
      tpu.yield
    }) : () -> ()
    %iota3A_108 = tpu.iota {dimensions = array<i32: 0>} : vector<16xi32>
    %broadcast_in_dim3A_109 = arith.constant 0 : i32
    %broadcast_in_dim3A_110 = vector.broadcast %broadcast_in_dim3A_109 : i32 to vector<16xi32>
    %broadcast_in_dim3A_111 = arith.constant 1 : i32
    %broadcast_in_dim3A_112 = vector.broadcast %broadcast_in_dim3A_111 : i32 to vector<16xi32>
    %broadcast_in_dim3A_113 = arith.constant 1.000000e+00 : f32
    %broadcast_in_dim3A_114 = vector.broadcast %broadcast_in_dim3A_113 : f32 to vector<16xf32>
    %scan3A_115 = arith.constant 0 : i32
    %scan3A_116 = arith.constant 0 : i32
    %scan3A_117 = arith.constant 1024 : i32
    %scan3A_118 = arith.addi %scan3A_116, %scan3A_117 : i32
    %scan3A_119 = arith.constant 1 : i32
    %scan3A_120 = scf.for %scan3A_222 = %scan3A_116 to %scan3A_118 step %scan3A_119 iter_args(%scan3A_223 = %scan3A_115) -> (i32)  : i32 {
      %mul3A_224 = arith.constant 16 : i32
      %mul3A_225 = arith.muli %scan3A_222, %mul3A_224 : i32
      %swap3A = arith.index_cast %mul3A_225 : i32 to index
      %swap3A_226 = tpu.vector_load %arg8[%swap3A] {strides = array<i32>} : memref<16384xi32, #tpu.memory_space<vmem>>, vector<16xi32>,
      tpu.vector_store %arg8[%swap3A], %broadcast_in_dim3A_110 {strides = array<i32>} : memref<16384xi32, #tpu.memory_space<vmem>>, vector<16xi32>,
      %scan3A_227 = arith.constant 0 : i32
      scf.yield %scan3A_227 : i32
    }
    %scan3A_121 = arith.constant 1024 : i32
    %scan3A_122 = arith.constant 0 : i32
    %scan3A_123 = arith.constant 0 : i32
    %scan3A_124 = arith.constant 2048 : i32
    %scan3A_125 = arith.addi %scan3A_123, %scan3A_124 : i32
    %scan3A_126 = arith.constant 1 : i32
    %scan3A_127 = scf.for %scan3A_222 = %scan3A_123 to %scan3A_125 step %scan3A_126 iter_args(%scan3A_223 = %scan3A_122) -> (i32)  : i32 {
      %mul3A_224 = arith.constant 16 : i32
      %mul3A_225 = arith.muli %scan3A_222, %mul3A_224 : i32
      %get3A = arith.index_cast %mul3A_225 : i32 to index
      %get3A_226 = tpu.vector_load %arg5[%get3A] {strides = array<i32>} : memref<32768xf32, #tpu.memory_space<vmem>>, vector<16xf32>,
      %mul3A_227 = arith.constant 16 : i32
      %mul3A_228 = arith.muli %scan3A_222, %mul3A_227 : i32
      %get3A_229 = arith.index_cast %mul3A_228 : i32 to index
      %get3A_230 = tpu.vector_load %arg6[%get3A_229] {strides = array<i32>} : memref<32768xf32, #tpu.memory_space<vmem>>, vector<16xf32>,
      %add3A_231 = arith.addf %get3A_226, %get3A_230 : vector<16xf32>
      %bitcast_convert_type3A = tpu.bitcast %add3A_231 : vector<16xf32> -> vector<16xi32>
      %shift_right_arithmetic3A = arith.constant 31 : i32
      %shift_right_arithmetic3A_232 = vector.broadcast %shift_right_arithmetic3A : i32 to vector<16xi32>
      %shift_right_arithmetic3A_233 = arith.shrsi %bitcast_convert_type3A, %shift_right_arithmetic3A_232 : vector<16xi32>
      %and3A_234 = arith.constant 2147483647 : i32
      %and3A_235 = vector.broadcast %and3A_234 : i32 to vector<16xi32>
      %and3A_236 = arith.andi %shift_right_arithmetic3A_233, %and3A_235 : vector<16xi32>
      %xor3A_237 = arith.xori %bitcast_convert_type3A, %and3A_236 : vector<16xi32>
      %mul3A_238 = arith.constant 16 : i32
      %mul3A_239 = arith.muli %scan3A_222, %mul3A_238 : i32
      %swap3A = arith.index_cast %mul3A_239 : i32 to index
      %swap3A_240 = tpu.vector_load %arg7[%swap3A] {strides = array<i32>} : memref<32768xi32, #tpu.memory_space<vmem>>, vector<16xi32>,
      tpu.vector_store %arg7[%swap3A], %xor3A_237 {strides = array<i32>} : memref<32768xi32, #tpu.memory_space<vmem>>, vector<16xi32>,
      %xor3A_241 = arith.constant -2147483648 : i32
      %xor3A_242 = vector.broadcast %xor3A_241 : i32 to vector<16xi32>
      %xor3A_243 = arith.xori %xor3A_237, %xor3A_242 : vector<16xi32>
      %shift_right_logical3A = arith.constant 22 : i32
      %shift_right_logical3A_244 = vector.broadcast %shift_right_logical3A : i32 to vector<16xi32>
      %shift_right_logical3A_245 = arith.shrui %xor3A_243, %shift_right_logical3A_244 : vector<16xi32>
      %mul3A_246 = arith.constant 16 : i32
      %mul3A_247 = vector.broadcast %mul3A_246 : i32 to vector<16xi32>
      %mul3A_248 = arith.muli %shift_right_logical3A_245, %mul3A_247 : vector<16xi32>
      %add3A_249 = arith.addi %mul3A_248, %iota3A_108 : vector<16xi32>
      tpu.vector_store_idx %arg8[%add3A_249], %broadcast_in_dim3A_112 {add = true} : memref<16384xi32, #tpu.memory_space<vmem>>[vector<16xi32>], vector<16xi32>,
      %scan3A_250 = arith.constant 0 : i32
      scf.yield %scan3A_250 : i32
    }
    %scan3A_128 = arith.constant 2048 : i32
    %while3A_129 = arith.constant 1023 : i32
    %while3A_130 = arith.constant 0 : i32
    %while3A_131 = arith.constant false
    %while3A_132:3 = scf.while (%while3A_222 = %while3A_129, %while3A_223 = %while3A_130, %while3A_224 = %while3A_131) : (i32, i32, i1) -> (i32, i32, i1) {
      %not3A = arith.constant true
      %not3A_225 = arith.xori %while3A_224, %not3A : i1
      scf.condition(%not3A_225) %while3A_222, %while3A_223, %while3A_224 : i32, i32, i1
    } do {
    ^bb0(%while3A_222: i32, %while3A_223: i32, %while3A_224: i1):
      %mul3A_225 = arith.constant 16 : i32
      %mul3A_226 = arith.muli %while3A_222, %mul3A_225 : i32
      %get3A = arith.index_cast %mul3A_226 : i32 to index
      %get3A_227 = tpu.vector_load %arg8[%get3A] {strides = array<i32>} : memref<16384xi32, #tpu.memory_space<vmem>>, vector<16xi32>,
      %reduce_sum3A = arith.constant true
      %reduce_sum3A_228 = vector.broadcast %reduce_sum3A : i1 to vector<16xi1>
      %reduce_sum3A_229 = tpu.scan <sum>, %get3A_227 masked %reduce_sum3A_228 : vector<16xi32>, vector<16xi1> -> vector<16xi32>
      %reduce_sum3A_230 = vector.extract %reduce_sum3A_229[15] : i32 from vector<16xi32>
      %add3A_231 = arith.addi %while3A_223, %reduce_sum3A_230 : i32
      %ge3A = arith.constant 64 : i32
      %ge3A_232 = arith.cmpi sge, %add3A_231, %ge3A : i32
      %sub3A_233 = arith.constant 1 : i32
      %sub3A_234 = arith.subi %while3A_222, %sub3A_233 : i32
      %select_n3A_235 = arith.select %ge3A_232, %while3A_222, %sub3A_234 : i32
      %add3A_236 = arith.addi %while3A_223, %reduce_sum3A_230 : i32
      %select_n3A_237 = arith.select %ge3A_232, %while3A_223, %add3A_236 : i32
      scf.yield %select_n3A_235, %select_n3A_237, %ge3A_232 : i32, i32, i1
    }
    %shift_left3A_133 = arith.constant 22 : i32
    %shift_left3A_134 = arith.shli %while3A_132#0, %shift_left3A_133 : i32
    %xor3A_135 = arith.constant -2147483648 : i32
    %xor3A_136 = arith.xori %shift_left3A_134, %xor3A_135 : i32
    %scan3A_137 = arith.constant 0 : i32
    %scan3A_138 = arith.constant 0 : i32
    %scan3A_139 = arith.constant 2048 : i32
    %scan3A_140 = arith.addi %scan3A_138, %scan3A_139 : i32
    %scan3A_141 = arith.constant 1 : i32
    %scan3A_142 = scf.for %scan3A_222 = %scan3A_138 to %scan3A_140 step %scan3A_141 iter_args(%scan3A_223 = %scan3A_137) -> (i32)  : i32 {
      %mul3A_224 = arith.constant 16 : i32
      %mul3A_225 = arith.muli %scan3A_222, %mul3A_224 : i32
      %get3A = arith.index_cast %mul3A_225 : i32 to index
      %get3A_226 = tpu.vector_load %arg7[%get3A] {strides = array<i32>} : memref<32768xi32, #tpu.memory_space<vmem>>, vector<16xi32>,
      %ge3A = vector.broadcast %xor3A_136 : i32 to vector<16xi32>
      %ge3A_227 = arith.cmpi sge, %get3A_226, %ge3A : vector<16xi32>
      %select_n3A_228 = arith.select %ge3A_227, %broadcast_in_dim3A_112, %broadcast_in_dim3A_110 : vector<16xi1>, vector<16xi32>
      %broadcast_in_dim3A_229 = arith.constant true
      %broadcast_in_dim3A_230 = vector.broadcast %broadcast_in_dim3A_229 : i1 to vector<16xi1>
      %masked_cumsum3A = tpu.scan <sum>, %select_n3A_228 masked %broadcast_in_dim3A_230 : vector<16xi32>, vector<16xi1> -> vector<16xi32>
      %add3A_231 = vector.broadcast %scan3A_223 : i32 to vector<16xi32>
      %add3A_232 = arith.addi %add3A_231, %masked_cumsum3A : vector<16xi32>
      %sub3A_233 = arith.constant 1 : i32
      %sub3A_234 = vector.broadcast %sub3A_233 : i32 to vector<16xi32>
      %sub3A_235 = arith.subi %add3A_232, %sub3A_234 : vector<16xi32>
      %lt3A = arith.constant 1024 : i32
      %lt3A_236 = vector.broadcast %lt3A : i32 to vector<16xi32>
      %lt3A_237 = arith.cmpi slt, %sub3A_235, %lt3A_236 : vector<16xi32>
      %and3A_238 = arith.andi %ge3A_227, %lt3A_237 : vector<16xi1>
      tpu.vector_store_idx %arg9[%sub3A_235], %get3A_226 masked %and3A_238 : memref<1040xi32, #tpu.memory_space<vmem>>[vector<16xi32>], vector<16xi32>, vector<16xi1>
      %mul3A_239 = arith.constant 16 : i32
      %mul3A_240 = arith.muli %scan3A_222, %mul3A_239 : i32
      %add3A_241 = vector.broadcast %mul3A_240 : i32 to vector<16xi32>
      %add3A_242 = arith.addi %add3A_241, %iota3A_108 : vector<16xi32>
      tpu.vector_store_idx %arg10[%sub3A_235], %add3A_242 masked %and3A_238 : memref<1040xi32, #tpu.memory_space<vmem>>[vector<16xi32>], vector<16xi32>, vector<16xi1>
      %reduce_sum3A = arith.constant true
      %reduce_sum3A_243 = vector.broadcast %reduce_sum3A : i1 to vector<16xi1>
      %reduce_sum3A_244 = tpu.scan <sum>, %select_n3A_228 masked %reduce_sum3A_243 : vector<16xi32>, vector<16xi1> -> vector<16xi32>
      %reduce_sum3A_245 = vector.extract %reduce_sum3A_244[15] : i32 from vector<16xi32>
      %add3A_246 = arith.addi %scan3A_223, %reduce_sum3A_245 : i32
      scf.yield %add3A_246 : i32
    }
    %scan3A_143 = arith.constant 2048 : i32
    %min3A_144 = arith.constant 1024 : i32
    %min3A_145 = arith.minsi %scan3A_142, %min3A_144 : i32
    %add3A_146 = vector.broadcast %min3A_145 : i32 to vector<16xi32>
    %add3A_147 = arith.addi %add3A_146, %iota3A_108 : vector<16xi32>
    %min3A_148 = arith.constant 1039 : i32
    %min3A_149 = vector.broadcast %min3A_148 : i32 to vector<16xi32>
    %min3A_150 = arith.minsi %add3A_147, %min3A_149 : vector<16xi32>
    %broadcast_in_dim3A_151 = arith.constant -2147483648 : i32
    %broadcast_in_dim3A_152 = vector.broadcast %broadcast_in_dim3A_151 : i32 to vector<16xi32>
    tpu.vector_store_idx %arg9[%min3A_150], %broadcast_in_dim3A_152 : memref<1040xi32, #tpu.memory_space<vmem>>[vector<16xi32>], vector<16xi32>,
    %add3A_153 = arith.constant 15 : i32
    %add3A_154 = arith.addi %min3A_145, %add3A_153 : i32
    %jit3A_155 = arith.constant 16 : i32
    %div3A_156 = arith.divsi %add3A_154, %jit3A_155 : i32
    %sign3A_157 = arith.constant 0 : i32
    %sign3A_158 = arith.cmpi sgt, %add3A_154, %sign3A_157 : i32
    %sign3A_159 = arith.extui %sign3A_158 : i1 to i32
    %sign3A_160 = arith.constant 0 : i32
    %sign3A_161 = arith.cmpi slt, %add3A_154, %sign3A_160 : i32
    %sign3A_162 = arith.extui %sign3A_161 : i1 to i32
    %sign3A_163 = arith.subi %sign3A_159, %sign3A_162 : i32
    %sign3A_164 = arith.constant 0 : i32
    %sign3A_165 = arith.cmpi sgt, %jit3A_155, %sign3A_164 : i32
    %sign3A_166 = arith.extui %sign3A_165 : i1 to i32
    %sign3A_167 = arith.constant 0 : i32
    %sign3A_168 = arith.cmpi slt, %jit3A_155, %sign3A_167 : i32
    %sign3A_169 = arith.extui %sign3A_168 : i1 to i32
    %sign3A_170 = arith.subi %sign3A_166, %sign3A_169 : i32
    %ne3A_171 = arith.cmpi ne, %sign3A_163, %sign3A_170 : i32
    %rem3A_172 = arith.remsi %add3A_154, %jit3A_155 : i32
    %ne3A_173 = arith.constant 0 : i32
    %ne3A_174 = arith.cmpi ne, %rem3A_172, %ne3A_173 : i32
    %and3A_175 = arith.andi %ne3A_171, %ne3A_174 : i1
    %sub3A_176 = arith.constant 1 : i32
    %sub3A_177 = arith.subi %div3A_156, %sub3A_176 : i32
    %select_n3A_178 = arith.select %and3A_175, %sub3A_177, %div3A_156 : i32
    %sub3A_179 = arith.constant 1 : i32
    %sub3A_180 = arith.subi %xor3A_136, %sub3A_179 : i32
    %add3A_181 = arith.constant 4194303 : i32
    %add3A_182 = arith.addi %xor3A_136, %add3A_181 : i32
    %scan3A_183 = arith.constant 0 : i32
    %scan3A_184 = arith.constant 23 : i32
    %scan3A_185 = arith.addi %scan3A_183, %scan3A_184 : i32
    %scan3A_186 = arith.constant 1 : i32
    %scan3A_187:2 = scf.for %scan3A_222 = %scan3A_183 to %scan3A_185 step %scan3A_186 iter_args(%scan3A_223 = %sub3A_180, %scan3A_224 = %add3A_182) -> (i32, i32)  : i32 {
      %sub3A_225 = arith.subi %scan3A_224, %scan3A_223 : i32
      %add3A_226 = arith.constant 1 : i32
      %add3A_227 = arith.addi %sub3A_225, %add3A_226 : i32
      %jit3A_228 = arith.constant 2 : i32
      %div3A_229 = arith.divsi %add3A_227, %jit3A_228 : i32
      %sign3A_230 = arith.constant 0 : i32
      %sign3A_231 = arith.cmpi sgt, %add3A_227, %sign3A_230 : i32
      %sign3A_232 = arith.extui %sign3A_231 : i1 to i32
      %sign3A_233 = arith.constant 0 : i32
      %sign3A_234 = arith.cmpi slt, %add3A_227, %sign3A_233 : i32
      %sign3A_235 = arith.extui %sign3A_234 : i1 to i32
      %sign3A_236 = arith.subi %sign3A_232, %sign3A_235 : i32
      %sign3A_237 = arith.constant 0 : i32
      %sign3A_238 = arith.cmpi sgt, %jit3A_228, %sign3A_237 : i32
      %sign3A_239 = arith.extui %sign3A_238 : i1 to i32
      %sign3A_240 = arith.constant 0 : i32
      %sign3A_241 = arith.cmpi slt, %jit3A_228, %sign3A_240 : i32
      %sign3A_242 = arith.extui %sign3A_241 : i1 to i32
      %sign3A_243 = arith.subi %sign3A_239, %sign3A_242 : i32
      %ne3A_244 = arith.cmpi ne, %sign3A_236, %sign3A_243 : i32
      %rem3A_245 = arith.remsi %add3A_227, %jit3A_228 : i32
      %ne3A_246 = arith.constant 0 : i32
      %ne3A_247 = arith.cmpi ne, %rem3A_245, %ne3A_246 : i32
      %and3A_248 = arith.andi %ne3A_244, %ne3A_247 : i1
      %sub3A_249 = arith.constant 1 : i32
      %sub3A_250 = arith.subi %div3A_229, %sub3A_249 : i32
      %select_n3A_251 = arith.select %and3A_248, %sub3A_250, %div3A_229 : i32
      %add3A_252 = arith.addi %scan3A_223, %select_n3A_251 : i32
      %while3A_253 = arith.constant 0 : i32
      %while3A_254 = arith.constant 0 : i32
      %while3A_255 = arith.subi %select_n3A_178, %while3A_253 : i32
      %while3A_256 = arith.addi %while3A_253, %while3A_255 : i32
      %while3A_257 = arith.constant 1 : i32
      %while3A_258 = arith.divsi %while3A_255, %while3A_257 : i32
      %while3A_259 = arith.muli %while3A_258, %while3A_257 : i32
      %while3A_260 = arith.addi %while3A_253, %while3A_259 : i32
      %while3A_261 = arith.constant 1 : i32
      %while3A_262 = scf.for %while3A_268 = %while3A_253 to %while3A_260 step %while3A_261 iter_args(%while3A_269 = %while3A_254) -> (i32)  : i32 {
        %mul3A_270 = arith.constant 16 : i32
        %mul3A_271 = arith.muli %while3A_268, %mul3A_270 : i32
        %get3A = arith.index_cast %mul3A_271 : i32 to index
        %get3A_272 = tpu.vector_load %arg9[%get3A] {strides = array<i32>} : memref<1040xi32, #tpu.memory_space<vmem>>, vector<16xi32>,
        %gt3A = vector.broadcast %add3A_252 : i32 to vector<16xi32>
        %gt3A_273 = arith.cmpi sgt, %get3A_272, %gt3A : vector<16xi32>
        %select_n3A_274 = arith.select %gt3A_273, %broadcast_in_dim3A_112, %broadcast_in_dim3A_110 : vector<16xi1>, vector<16xi32>
        %reduce_sum3A = arith.constant true
        %reduce_sum3A_275 = vector.broadcast %reduce_sum3A : i1 to vector<16xi1>
        %reduce_sum3A_276 = tpu.scan <sum>, %select_n3A_274 masked %reduce_sum3A_275 : vector<16xi32>, vector<16xi1> -> vector<16xi32>
        %reduce_sum3A_277 = vector.extract %reduce_sum3A_276[15] : i32 from vector<16xi32>
        %add3A_278 = arith.addi %while3A_269, %reduce_sum3A_277 : i32
        scf.yield %add3A_278 : i32
      }
      %while3A_263 = arith.constant 1 : i32
      %while3A_264 = scf.for %while3A_268 = %while3A_260 to %while3A_256 step %while3A_263 iter_args(%while3A_269 = %while3A_262) -> (i32)  : i32 {
        %mul3A_270 = arith.constant 16 : i32
        %mul3A_271 = arith.muli %while3A_268, %mul3A_270 : i32
        %get3A = arith.index_cast %mul3A_271 : i32 to index
        %get3A_272 = tpu.vector_load %arg9[%get3A] {strides = array<i32>} : memref<1040xi32, #tpu.memory_space<vmem>>, vector<16xi32>,
        %gt3A = vector.broadcast %add3A_252 : i32 to vector<16xi32>
        %gt3A_273 = arith.cmpi sgt, %get3A_272, %gt3A : vector<16xi32>
        %select_n3A_274 = arith.select %gt3A_273, %broadcast_in_dim3A_112, %broadcast_in_dim3A_110 : vector<16xi1>, vector<16xi32>
        %reduce_sum3A = arith.constant true
        %reduce_sum3A_275 = vector.broadcast %reduce_sum3A : i1 to vector<16xi1>
        %reduce_sum3A_276 = tpu.scan <sum>, %select_n3A_274 masked %reduce_sum3A_275 : vector<16xi32>, vector<16xi1> -> vector<16xi32>
        %reduce_sum3A_277 = vector.extract %reduce_sum3A_276[15] : i32 from vector<16xi32>
        %add3A_278 = arith.addi %while3A_269, %reduce_sum3A_277 : i32
        scf.yield %add3A_278 : i32
      }
      %lt3A = arith.constant 64 : i32
      %lt3A_265 = arith.cmpi slt, %while3A_264, %lt3A : i32
      %select_n3A_266 = arith.select %lt3A_265, %scan3A_223, %add3A_252 : i32
      %select_n3A_267 = arith.select %lt3A_265, %add3A_252, %scan3A_224 : i32
      scf.yield %select_n3A_266, %select_n3A_267 : i32, i32
    }
    %scan3A_188 = arith.constant 23 : i32
    %while3A_189 = arith.constant 0 : i32
    %while3A_190 = arith.constant 0 : i32
    %while3A_191 = arith.subi %select_n3A_178, %while3A_189 : i32
    %while3A_192 = arith.addi %while3A_189, %while3A_191 : i32
    %while3A_193 = arith.constant 1 : i32
    %while3A_194 = arith.divsi %while3A_191, %while3A_193 : i32
    %while3A_195 = arith.muli %while3A_194, %while3A_193 : i32
    %while3A_196 = arith.addi %while3A_189, %while3A_195 : i32
    %while3A_197 = arith.constant 1 : i32
    %while3A_198 = scf.for %while3A_222 = %while3A_189 to %while3A_196 step %while3A_197 iter_args(%while3A_223 = %while3A_190) -> (i32)  : i32 {
      %mul3A_224 = arith.constant 16 : i32
      %mul3A_225 = arith.muli %while3A_222, %mul3A_224 : i32
      %get3A = arith.index_cast %mul3A_225 : i32 to index
      %get3A_226 = tpu.vector_load %arg9[%get3A] {strides = array<i32>} : memref<1040xi32, #tpu.memory_space<vmem>>, vector<16xi32>,
      %gt3A = vector.broadcast %scan3A_187#1 : i32 to vector<16xi32>
      %gt3A_227 = arith.cmpi sgt, %get3A_226, %gt3A : vector<16xi32>
      %select_n3A_228 = arith.select %gt3A_227, %broadcast_in_dim3A_112, %broadcast_in_dim3A_110 : vector<16xi1>, vector<16xi32>
      %reduce_sum3A = arith.constant true
      %reduce_sum3A_229 = vector.broadcast %reduce_sum3A : i1 to vector<16xi1>
      %reduce_sum3A_230 = tpu.scan <sum>, %select_n3A_228 masked %reduce_sum3A_229 : vector<16xi32>, vector<16xi1> -> vector<16xi32>
      %reduce_sum3A_231 = vector.extract %reduce_sum3A_230[15] : i32 from vector<16xi32>
      %add3A_232 = arith.addi %while3A_223, %reduce_sum3A_231 : i32
      scf.yield %add3A_232 : i32
    }
    %while3A_199 = arith.constant 1 : i32
    %while3A_200 = scf.for %while3A_222 = %while3A_196 to %while3A_192 step %while3A_199 iter_args(%while3A_223 = %while3A_198) -> (i32)  : i32 {
      %mul3A_224 = arith.constant 16 : i32
      %mul3A_225 = arith.muli %while3A_222, %mul3A_224 : i32
      %get3A = arith.index_cast %mul3A_225 : i32 to index
      %get3A_226 = tpu.vector_load %arg9[%get3A] {strides = array<i32>} : memref<1040xi32, #tpu.memory_space<vmem>>, vector<16xi32>,
      %gt3A = vector.broadcast %scan3A_187#1 : i32 to vector<16xi32>
      %gt3A_227 = arith.cmpi sgt, %get3A_226, %gt3A : vector<16xi32>
      %select_n3A_228 = arith.select %gt3A_227, %broadcast_in_dim3A_112, %broadcast_in_dim3A_110 : vector<16xi1>, vector<16xi32>
      %reduce_sum3A = arith.constant true
      %reduce_sum3A_229 = vector.broadcast %reduce_sum3A : i1 to vector<16xi1>
      %reduce_sum3A_230 = tpu.scan <sum>, %select_n3A_228 masked %reduce_sum3A_229 : vector<16xi32>, vector<16xi1> -> vector<16xi32>
      %reduce_sum3A_231 = vector.extract %reduce_sum3A_230[15] : i32 from vector<16xi32>
      %add3A_232 = arith.addi %while3A_223, %reduce_sum3A_231 : i32
      scf.yield %add3A_232 : i32
    }
    %sub3A_201 = arith.constant 64 : i32
    %sub3A_202 = arith.subi %sub3A_201, %while3A_200 : i32
    %scan3A_203 = arith.constant 0 : i32
    %scan3A_204 = arith.constant 0 : i32
    %scan3A_205 = arith.constant 2048 : i32
    %scan3A_206 = arith.addi %scan3A_204, %scan3A_205 : i32
    %scan3A_207 = arith.constant 1 : i32
    %scan3A_208 = scf.for %scan3A_222 = %scan3A_204 to %scan3A_206 step %scan3A_207 iter_args(%scan3A_223 = %scan3A_203) -> (i32)  : i32 {
      %mul3A_224 = arith.constant 16 : i32
      %mul3A_225 = arith.muli %scan3A_222, %mul3A_224 : i32
      %get3A = arith.index_cast %mul3A_225 : i32 to index
      %get3A_226 = tpu.vector_load %arg7[%get3A] {strides = array<i32>} : memref<32768xi32, #tpu.memory_space<vmem>>, vector<16xi32>,
      %gt3A = vector.broadcast %scan3A_187#1 : i32 to vector<16xi32>
      %gt3A_227 = arith.cmpi sgt, %get3A_226, %gt3A : vector<16xi32>
      %jit3A_228 = arith.constant 0.000000e+00 : f32
      %broadcast_in_dim3A_229 = vector.broadcast %jit3A_228 : f32 to vector<16xf32>
      %select_n3A_230 = arith.select %gt3A_227, %broadcast_in_dim3A_114, %broadcast_in_dim3A_229 : vector<16xi1>, vector<16xf32>
      %mul3A_231 = arith.constant 16 : i32
      %mul3A_232 = arith.muli %scan3A_222, %mul3A_231 : i32
      %swap3A = arith.index_cast %mul3A_232 : i32 to index
      %swap3A_233 = tpu.vector_load %arg5[%swap3A] {strides = array<i32>} : memref<32768xf32, #tpu.memory_space<vmem>>, vector<16xf32>,
      tpu.vector_store %arg5[%swap3A], %select_n3A_230 {strides = array<i32>} : memref<32768xf32, #tpu.memory_space<vmem>>, vector<16xf32>,
      %scan3A_234 = arith.constant 0 : i32
      scf.yield %scan3A_234 : i32
    }
    %scan3A_209 = arith.constant 2048 : i32
    %while3A_210 = arith.constant 0 : i32
    %while3A_211 = arith.constant 0 : i32
    %while3A_212 = arith.subi %select_n3A_178, %while3A_210 : i32
    %while3A_213 = arith.addi %while3A_210, %while3A_212 : i32
    %while3A_214 = arith.constant 1 : i32
    %while3A_215 = arith.divsi %while3A_212, %while3A_214 : i32
    %while3A_216 = arith.muli %while3A_215, %while3A_214 : i32
    %while3A_217 = arith.addi %while3A_210, %while3A_216 : i32
    %while3A_218 = arith.constant 1 : i32
    %while3A_219 = scf.for %while3A_222 = %while3A_210 to %while3A_217 step %while3A_218 iter_args(%while3A_223 = %while3A_211) -> (i32)  : i32 {
      %mul3A_224 = arith.constant 16 : i32
      %mul3A_225 = arith.muli %while3A_222, %mul3A_224 : i32
      %get3A = arith.index_cast %mul3A_225 : i32 to index
      %get3A_226 = tpu.vector_load %arg9[%get3A] {strides = array<i32>} : memref<1040xi32, #tpu.memory_space<vmem>>, vector<16xi32>,
      %mul3A_227 = arith.constant 16 : i32
      %mul3A_228 = arith.muli %while3A_222, %mul3A_227 : i32
      %get3A_229 = arith.index_cast %mul3A_228 : i32 to index
      %get3A_230 = tpu.vector_load %arg10[%get3A_229] {strides = array<i32>} : memref<1040xi32, #tpu.memory_space<vmem>>, vector<16xi32>,
      %eq3A = vector.broadcast %scan3A_187#1 : i32 to vector<16xi32>
      %eq3A_231 = arith.cmpi eq, %get3A_226, %eq3A : vector<16xi32>
      %select_n3A_232 = arith.select %eq3A_231, %broadcast_in_dim3A_112, %broadcast_in_dim3A_110 : vector<16xi1>, vector<16xi32>
      %broadcast_in_dim3A_233 = arith.constant true
      %broadcast_in_dim3A_234 = vector.broadcast %broadcast_in_dim3A_233 : i1 to vector<16xi1>
      %masked_cumsum3A = tpu.scan <sum>, %select_n3A_232 masked %broadcast_in_dim3A_234 : vector<16xi32>, vector<16xi1> -> vector<16xi32>
      %add3A_235 = vector.broadcast %while3A_223 : i32 to vector<16xi32>
      %add3A_236 = arith.addi %add3A_235, %masked_cumsum3A : vector<16xi32>
      %le3A = vector.broadcast %sub3A_202 : i32 to vector<16xi32>
      %le3A_237 = arith.cmpi sle, %add3A_236, %le3A : vector<16xi32>
      %and3A_238 = arith.andi %eq3A_231, %le3A_237 : vector<16xi1>
      tpu.vector_store_idx %arg5[%get3A_230], %broadcast_in_dim3A_114 masked %and3A_238 : memref<32768xf32, #tpu.memory_space<vmem>>[vector<16xi32>], vector<16xf32>, vector<16xi1>
      %reduce_sum3A = arith.constant true
      %reduce_sum3A_239 = vector.broadcast %reduce_sum3A : i1 to vector<16xi1>
      %reduce_sum3A_240 = tpu.scan <sum>, %select_n3A_232 masked %reduce_sum3A_239 : vector<16xi32>, vector<16xi1> -> vector<16xi32>
      %reduce_sum3A_241 = vector.extract %reduce_sum3A_240[15] : i32 from vector<16xi32>
      %add3A_242 = arith.addi %while3A_223, %reduce_sum3A_241 : i32
      scf.yield %add3A_242 : i32
    }
    %while3A_220 = arith.constant 1 : i32
    %while3A_221 = scf.for %while3A_222 = %while3A_217 to %while3A_213 step %while3A_220 iter_args(%while3A_223 = %while3A_219) -> (i32)  : i32 {
      %mul3A_224 = arith.constant 16 : i32
      %mul3A_225 = arith.muli %while3A_222, %mul3A_224 : i32
      %get3A = arith.index_cast %mul3A_225 : i32 to index
      %get3A_226 = tpu.vector_load %arg9[%get3A] {strides = array<i32>} : memref<1040xi32, #tpu.memory_space<vmem>>, vector<16xi32>,
      %mul3A_227 = arith.constant 16 : i32
      %mul3A_228 = arith.muli %while3A_222, %mul3A_227 : i32
      %get3A_229 = arith.index_cast %mul3A_228 : i32 to index
      %get3A_230 = tpu.vector_load %arg10[%get3A_229] {strides = array<i32>} : memref<1040xi32, #tpu.memory_space<vmem>>, vector<16xi32>,
      %eq3A = vector.broadcast %scan3A_187#1 : i32 to vector<16xi32>
      %eq3A_231 = arith.cmpi eq, %get3A_226, %eq3A : vector<16xi32>
      %select_n3A_232 = arith.select %eq3A_231, %broadcast_in_dim3A_112, %broadcast_in_dim3A_110 : vector<16xi1>, vector<16xi32>
      %broadcast_in_dim3A_233 = arith.constant true
      %broadcast_in_dim3A_234 = vector.broadcast %broadcast_in_dim3A_233 : i1 to vector<16xi1>
      %masked_cumsum3A = tpu.scan <sum>, %select_n3A_232 masked %broadcast_in_dim3A_234 : vector<16xi32>, vector<16xi1> -> vector<16xi32>
      %add3A_235 = vector.broadcast %while3A_223 : i32 to vector<16xi32>
      %add3A_236 = arith.addi %add3A_235, %masked_cumsum3A : vector<16xi32>
      %le3A = vector.broadcast %sub3A_202 : i32 to vector<16xi32>
      %le3A_237 = arith.cmpi sle, %add3A_236, %le3A : vector<16xi32>
      %and3A_238 = arith.andi %eq3A_231, %le3A_237 : vector<16xi1>
      tpu.vector_store_idx %arg5[%get3A_230], %broadcast_in_dim3A_114 masked %and3A_238 : memref<32768xf32, #tpu.memory_space<vmem>>[vector<16xi32>], vector<16xf32>, vector<16xi1>
      %reduce_sum3A = arith.constant true
      %reduce_sum3A_239 = vector.broadcast %reduce_sum3A : i1 to vector<16xi1>
      %reduce_sum3A_240 = tpu.scan <sum>, %select_n3A_232 masked %reduce_sum3A_239 : vector<16xi32>, vector<16xi1> -> vector<16xi32>
      %reduce_sum3A_241 = vector.extract %reduce_sum3A_240[15] : i32 from vector<16xi32>
      %add3A_242 = arith.addi %while3A_223, %reduce_sum3A_241 : i32
      scf.yield %add3A_242 : i32
    }
    "tpu.region"() ({
      %run_scoped3A = tpu.sem_alloc : memref<!tpu.dma_semaphore, #tpu.memory_space<semaphore_mem>>
      %dma_start3A = arith.constant 0 : i32
      %dma_start3A_222 = tpu.memref_slice %arg4[%add3A_107, %dma_start3A] : memref<64x32768xf32, #tpu.memory_space<hbm>> -> memref<1x32768xf32, #tpu.memory_space<hbm>>
      %dma_start3A_223 = tpu.memref_squeeze %dma_start3A_222 : memref<1x32768xf32, #tpu.memory_space<hbm>> -> memref<32768xf32, #tpu.memory_space<hbm>>
      %dma_start3A_224 = arith.constant 0 : i32
      %dma_start3A_225 = tpu.memref_slice %arg4[%add3A_107, %dma_start3A_224] : memref<64x32768xf32, #tpu.memory_space<hbm>> -> memref<1x32768xf32, #tpu.memory_space<hbm>>
      %dma_start3A_226 = tpu.memref_squeeze %dma_start3A_225 : memref<1x32768xf32, #tpu.memory_space<hbm>> -> memref<32768xf32, #tpu.memory_space<hbm>>
      tpu.enqueue_dma source(%arg5 : memref<32768xf32, #tpu.memory_space<vmem>>) target(%dma_start3A_226 : memref<32768xf32, #tpu.memory_space<hbm>>) target_semaphore(%run_scoped3A : memref<!tpu.dma_semaphore, #tpu.memory_space<semaphore_mem>>)
      %dma_wait3A = arith.constant 0 : i32
      %dma_wait3A_227 = tpu.memref_slice %arg4[%add3A_107, %dma_wait3A] : memref<64x32768xf32, #tpu.memory_space<hbm>> -> memref<1x32768xf32, #tpu.memory_space<hbm>>
      %dma_wait3A_228 = tpu.memref_squeeze %dma_wait3A_227 : memref<1x32768xf32, #tpu.memory_space<hbm>> -> memref<32768xf32, #tpu.memory_space<hbm>>
      %dma_wait3A_229 = arith.constant 0 : i32
      %dma_wait3A_230 = tpu.memref_slice %arg4[%add3A_107, %dma_wait3A_229] : memref<64x32768xf32, #tpu.memory_space<hbm>> -> memref<1x32768xf32, #tpu.memory_space<hbm>>
      %dma_wait3A_231 = tpu.memref_squeeze %dma_wait3A_230 : memref<1x32768xf32, #tpu.memory_space<hbm>> -> memref<32768xf32, #tpu.memory_space<hbm>>
      tpu.wait_dma2 semaphore(%run_scoped3A : memref<!tpu.dma_semaphore, #tpu.memory_space<semaphore_mem>>) src(%arg5 : memref<32768xf32, #tpu.memory_space<vmem>>) dst(%dma_wait3A_231 : memref<32768xf32, #tpu.memory_space<hbm>>)
      tpu.yield
    }) : () -> ()
    return
  }
}

</mosaic_0001>

<sc_bundles>
// kernel: kernel.5.cloned.1.call-start
scs
__scs_entry_jumppad:
0x0: {  	(pc) =	sbr.rel $0x88, $3  }
0x1: {  	(tag) =	ssettag $0x0;
	lr =	simm.s32 $0x1  }
0x2: {  	[smem:$0x3FA0] =	sst lr;
	_ =	strace $0xD0000000  }
0x3: {  	_ = 	snop  }
0x4: {  	_ = 	snop  }
0x5: {  	_ = 	snop  }
0x6: {  	_ = 	snop  }
0x7: {  	_ = 	snop  }
__scs_overlays_trampoline_lowered:
0x8: {  	[smem:$0x3FAF] =	sst s0  }
0x9: {  	[smem:$0x3FB0] =	sst s1  }
0xa: {  	[smem:$0x3FB1] =	sst s2  }
0xb: {  	[smem:$0x3FB2] =	sst s3  }
0xc: {  	[smem:$0x3FB3] =	sst s4  }
0xd: {  	[smem:$0x3FB4] =	sst s5  }
0xe: {  	[smem:$0x3FB5] =	sst s6  }
0xf: {  	[smem:$0x3FB6] =	sst s7  }
0x10: {  	[smem:$0x3FB7] =	sst s8  }
0x11: {  	[smem:$0x3FB8] =	sst s9;
	s0 =	simm.s32 @!p0 $0x0  }
0x12: {  	s1 =	sld [smem:$0x3F9E];
	s0 =	simm.s32 @p0 $0x1  }
0x13: {  	[smem:$0x3FB9] =	sst s0;
	s0 =	simm.s32 @!p1 $0x0  }
0x14: {  	s2 =	sld [smem:$0x3F9D];
	s0 =	simm.s32 @p1 $0x1  }
0x15: {  	[smem:$0x3FBA] =	sst s0;
	s0 =	simm.s32 @!p2 $0x0  }
0x16: {  	s3 =	sld [smem:$0x3FDB];
	s0 =	simm.s32 @p2 $0x1  }
0x17: {  	s4 =	simm.s32 $0x1BF5;
	[smem:$0x3FBC] =	sst s0  }
0x18: {  	s0 =	sld [smem:$0x3F9F];
	_ =	swait.ge [sflag:s4], $0x0  }
0x19: {  	s7 =	sld [smem:$0x3FA0]  }
0x1a: {  	s8 =	sadd.s32 $0xFFFFE003, lr  }
0x1b: {  	s9 =	sadd.s32 $0xFFFFFEF7, lr;
	s5 =	simm.s32 $0xFFFFFFFF;
	p2 =	slt.u32 s8, $0xFFFFF086  }
0x1c: {  	p1 =	slt.u32 s9, $0xF7A;
	s5 =	simm.s32 @!p2 $0x0  }
0x1d: {  	s5 =	simm.s32 @p1 $0x1;
	p0 =	seq.s32 s7, s2  }
0x1e: {  	s7 =	smul.u32 @!p0 $0xF7A, s2;
	p2 =	seq.s32 @!p0 s5, $0x0  }
0x1f: {  	s9 =	smul.u32 $0xF7A, s1;
	s8 =	simm.s32 @!p0 $0x1BF5;
	p2 =	por !p2, p0  }
0x20: {  	[sflag:s8] =	ssyncset.s32 @!p0 $0xFFFFF086;
	s6 =	sadd.s32 @!p0 s3, s7;
	s7 =	simm.s32 @!p0 $0x108  }
0x21: {  	s3 =	sadd.s32 s3, s9;
	s6 =	sadd.s32 @!p0 $0x88, s6;
	s7 =	simm.s32 @p2 $0x1082  }
0x22: {  	[simem:s7], [sflag:s8] =	dma.local @!p0 [hbm:s6], $0xF7A  }
0x23: {  	s9 =	sor.u32 $0xD0000000, s2;
	s6 =	simm.s32 $0x108;
	_ =	swait.ge @!p0 [sflag:s8], $0x0  }
0x24: {  	s3 =	sadd.s32 $0x88, s3;
	s6 =	simm.s32 @!p1 $0x1082;
	[sflag:s4] =	ssyncset.s32 $0xFFFFF086  }
0x25: {  	[simem:s6], [sflag:s4] =	dma.local [hbm:s3], $0xF7A  }
0x26: {  	[smem:$0x3FA0] =	sst s1;
	(tag) =	ssettag s2;
	_ =	strace s9  }
0x27: {  	s1 =	sld [smem:$0x3FB0]  }
0x28: {  	s2 =	sld [smem:$0x3FB1]  }
0x29: {  	s4 =	sld [smem:$0x3FB3]  }
0x2a: {  	p0 =	seq.s32 s5, $0x0;
	s5 =	sld [smem:$0x3FB4]  }
0x2b: {  	s6 =	sld [smem:$0x3FB5]  }
0x2c: {  	s7 =	sld [smem:$0x3FB6]  }
0x2d: {  	s3 =	simm.s32 $0x108;
	s8 =	sld [smem:$0x3FB7]  }
0x2e: {  	s3 =	simm.s32 @!p0 $0x1082;
	s9 =	sld [smem:$0x3FB8]  }
0x2f: {  	lr =	sadd.s32 s0, s3;
	s0 =	sld [smem:$0x3FAF]  }
0x30: {  	s3 =	sld [smem:$0x3FB2]  }
0x31: {  	[smem:$0x3FBB] =	sst s10  }
0x32: {  	s10 =	sld [smem:$0x3FB9];
	_ =	sdelay $0x3  }
0x33: {  	p0 =	seq.s32 s10, $0x1;
	s10 =	sld [smem:$0x3FBB];
	_ =	sdelay $0x3  }
0x34: {  	[smem:$0x3FBB] =	sst s10  }
0x35: {  	s10 =	sld [smem:$0x3FBA];
	_ =	sdelay $0x3  }
0x36: {  	p1 =	seq.s32 s10, $0x1;
	s10 =	sld [smem:$0x3FBB];
	_ =	sdelay $0x3  }
0x37: {  	[smem:$0x3FBB] =	sst s10  }
0x38: {  	s10 =	sld [smem:$0x3FBC]  }
0x39: {  	_ = 	snop;
	(pc) =	sbr.ind lr, $3  }
0x3a: {  	_ = 	snop  }
0x3b: {  	_ = 	snop  }
0x3c: {  	p2 =	seq.s32 s10, $0x1;
	s10 =	sld [smem:$0x3FBB]  }
0x3d: {  	_ =	shalt  }
0x3e: {  	_ =	shalt  }
0x3f: {  	_ =	shalt  }
0x40: {  	_ =	shalt  }
0x41: {  	_ =	shalt  }
0x42: {  	_ =	shalt  }
0x43: {  	_ =	shalt  }
0x44: {  	_ =	shalt  }
0x45: {  	_ =	shalt  }
0x46: {  	_ =	shalt  }
0x47: {  	_ =	shalt  }
0x48: {  	_ =	shalt  }
0x49: {  	_ =	shalt  }
0x4a: {  	_ =	shalt  }
0x4b: {  	_ =	shalt  }
0x4c: {  	_ =	shalt  }
0x4d: {  	_ =	shalt  }
0x4e: {  	_ =	shalt  }
0x4f: {  	_ =	shalt  }
0x50: {  	_ =	shalt  }
0x51: {  	_ =	shalt  }
0x52: {  	_ =	shalt  }
0x53: {  	_ =	shalt  }
0x54: {  	_ =	shalt  }
0x55: {  	_ =	shalt  }
0x56: {  	_ =	shalt  }
0x57: {  	_ =	shalt  }
0x58: {  	_ =	shalt  }
0x59: {  	_ =	shalt  }
0x5a: {  	_ =	shalt  }
0x5b: {  	_ =	shalt  }
0x5c: {  	_ =	shalt  }
0x5d: {  	_ =	shalt  }
0x5e: {  	_ =	shalt  }
0x5f: {  	_ =	shalt  }
0x60: {  	_ =	shalt  }
0x61: {  	_ =	shalt  }
0x62: {  	_ =	shalt  }
0x63: {  	_ =	shalt  }
0x64: {  	_ =	shalt  }
0x65: {  	_ =	shalt  }
0x66: {  	_ =	shalt  }
0x67: {  	_ =	shalt  }
0x68: {  	_ =	shalt  }
0x69: {  	_ =	shalt  }
0x6a: {  	_ =	shalt  }
0x6b: {  	_ =	shalt  }
0x6c: {  	_ =	shalt  }
0x6d: {  	_ =	shalt  }
0x6e: {  	_ =	shalt  }
0x6f: {  	_ =	shalt  }
0x70: {  	_ =	shalt  }
0x71: {  	_ =	shalt  }
0x72: {  	_ =	shalt  }
0x73: {  	_ =	shalt  }
0x74: {  	_ =	shalt  }
0x75: {  	_ =	shalt  }
0x76: {  	_ =	shalt  }
0x77: {  	_ =	shalt  }
0x78: {  	_ =	shalt  }
0x79: {  	_ =	shalt  }
0x7a: {  	_ =	shalt  }
0x7b: {  	_ =	shalt  }
0x7c: {  	_ =	shalt  }
0x7d: {  	_ =	shalt  }
0x7e: {  	_ =	shalt  }
0x7f: {  	_ =	shalt  }
0x80: {  	_ =	shalt  }
0x81: {  	_ =	shalt  }
0x82: {  	_ =	shalt  }
0x83: {  	_ =	shalt  }
0x84: {  	_ =	shalt  }
0x85: {  	_ =	shalt  }
0x86: {  	_ =	shalt  }
0x87: {  	_ =	shalt  }
.Lfunc_end0:
.L_simem_size_0:
called_computation_lowered:
.L_overlay_start_0:
0x88: {  	s2 =	sld [smem:$0x3FD9]  }
0x89: {  	s3 =	sld [smem:$0x3FFE];
	_ =	sdelay $0x1  }
0x8a: {  	s1 =	srdreg.scid  }
0x8b: {  	s0 =	sand.u32 $0x1, s1  }
0x8c: {  	s17 =	sshll.u32 s0, $0xA;
	s2 =	sadd.s32 s3, s2  }
0x8d: {  	s2 =	sadd.s32 s2, s17  }
0x8e: {  	[smem:$0x3FC7] =	sst s2  }
0x8f: {  	_ = 	snop  }
0x90: {  	s2 =	sld [smem:$0x3FC9]  }
0x91: {  	s18 =	sld [smem:$0x3FD0];
	(tm) =	ssettm $0x1  }
0x92: {  	s4 =	sld [smem:$0x3FFB];
	_ =	sdelay $0x3  }
0x93: {  	_ =	strace s4  }
0x94: {  	s4 =	sld [smem:$0x3FFC];
	_ =	sdelay $0x3  }
0x95: {  	_ =	strace s4  }
0x96: {  	s4 =	sld [smem:$0x3FFD];
	_ =	sdelay $0x3  }
0x97: {  	_ =	strace s4  }
0x98: {  	_ =	strace $0x8FFFFFFF  }
0x99: {  	s19 =	sld [smem:$0x3FDB];
	_ =	sdelay $0x1  }
0x9a: {  	s5 =	simm.s32 $_scs_section_size  }
0x9b: {  	s6 =	simm.s32 $_size__tile_overlayer_lowered;
	s7 =	simm.s32 $_tile_overlayer_lowered  }
0x9c: {  	s22 =	simm.s32 $0x1BFF;
	s21 =	sshll.u32 s7, $0x1;
	s4 =	sadd.s32 s5, s19  }
0x9d: {  	s8 =	simm.s32 $0x0;
	s20 =	sshll.u32 s6, $0x1;
	s6 =	sadd.s32 s21, s4  }
0x9e: {  	[timem:s8], [sflag:s22] =	dma.local [hbm:s6], s20  }
0x9f: {  	_ =	swait.ge [sflag:s22], s20  }
0xa0: {  	s5 =	ssub.s32 $0x0, s20;
	[sflag:s22] =	ssyncset.done $0x0  }
0xa1: {  	[sflag:s22] =	ssyncadd.s32 s5;
	_ =	sdelay $0x1  }
0xa2: {  	s23 =	simm.s32 $0x1B8B  }
0xa3: {  	_ =	swait.ge [sflag:s23], $0x1  }
0xa4: {  	[sflag:s23] =	ssyncset.done $0x0  }
0xa5: {  	s25 =	simm.s32 $0x1B8E;
	s24 =	sld [smem:$0x3FFE];
	[sflag:s23] =	ssyncadd.s32 $0xFFFFFFFF  }
0xa6: {  	s26 =	simm.s32 $execute0_lowered;
	[smem:$0x3FD2] =	sst s25  }
0xa7: {  	s6 =	sshll.u32 s26, $0x1;
	_ =	strace $0x80000046;
	[dreg:$0x1] =	wrdreg $0xFFFFFFFF  }
0xa8: {  	s28 =	simm.s32 $_size_execute0_lowered;
	s4 =	sadd.s32 s4, s6;
	[dreg:$0x0] =	wrdreg $0x0  }
0xa9: {  	s6 =	sshll.u32 s28, $0x1;
	[dreg:$0x2] =	wrdreg s4  }
0xaa: {  	[dreg:$0x3] =	wrdreg s6  }
0xab: {  	[dreg:$0x4] =	wrdreg $0xC0  }
0xac: {  	_ =	task [dreg:s8], $0x5FFFF  }
0xad: {  	[dreg:$0x1] =	wrdreg $0xFFFFFFFF  }
0xae: {  	[dreg:$0x0] =	wrdreg $0x60  }
0xaf: {  	[dreg:$0x2] =	wrdreg s2  }
0xb0: {  	[dreg:$0x3] =	wrdreg s24  }
0xb1: {  	[dreg:$0x4] =	wrdreg s18  }
0xb2: {  	[dreg:$0x5] =	wrdreg $0x9  }
0xb3: {  	_ =	task.clear_ibuf [dreg:s8], $0x6FFFF;
	_ =	strace $0x90000046  }
0xb4: {  	s29 =	simm.s32 $0x9;
	_ =	strace $0x80000048  }
0xb5: {  	_ =	swait.ge [sflag:s29], $0x1  }
0xb6: {  	[sflag:s29] =	ssyncadd.s32 $0xFFFFFFFF  }
0xb7: {  	_ =	strace $0x90000048  }
0xb8: {  	_ =	sfence  }
0xb9: {  	s30 =	sld [smem:$0x0];
	_ =	sdelay $0x2  }
0xba: {  	s31 =	sshll.u32 s1, $0xD;
	s1 =	sshrl.u32 s1, $0x2  }
0xbb: {  	s3 =	sand.u32 $0x4000, s31;
	s1 =	sadd.s32 s1, s30  }
0xbc: {  	s0 =	sor.u32 s3, s0;
	s1 =	sshll.u32 s1, $0x11  }
0xbd: {  	s0 =	sor.u32 s1, s0  }
0xbe: {  	s0 =	sadd.s32 $0x8F2B, s0  }
0xbf: {  	[sflag:s0] =	ssyncadd.remote.s32 $0x1  }
0xc0: {  	_ =	sfence.sel $0xFFFF  }
0xc1: {  	[dreg:$0x0] =	wrdreg $0xFFFFFFFF;
	(pc) =	sbr.abs _section_cstart, $3  }
0xc2: {  	[dreg:$0x1] =	wrdreg $0xFFFFFFFF  }
0xc3: {  	_ =	task.clear_ibuf [dreg:s8], $0x2FFFF;
	_ =	strace $0x9FFFFFFF  }
0xc4: {  	(tm) =	ssettm $0x7FFFFFFF  }
0xc5: {  	_ =	shalt  }
tec
execute0_lowered:
.L_overlay_start_1:
0x0: {  	(tag) =	ssettag $0x1  }
0x1: {  	s6 =	rddreg [dreg:$0x0]  }
0x2: {  	s3 =	rddreg [dreg:$0x1]  }
0x3: {  	s8 =	rddreg [dreg:$0x2]  }
0x4: {  	s0 =	rddreg [dreg:$0x3];
	s2 =	simm.s32 $0x0  }
0x5: {  	s4 =	srdreg.scid;
	s1 =	stileid.u32;
	s12 =	simm.s32 $0x1  }
0x6: {  	s13 =	simm.s32 $0x8000;
	s14 =	simm.s32 $0x18000;
	s15 =	simm.s32 $0x1C000  }
0x7: {  	s16 =	simm.s32 $0x1C480;
	s17 =	simm.s32 $0x0;
	[smem:$0x7FF] =	sst s2  }
0x8: {  	s4 =	sand.u32 $0x1, s4;
	s5 =	sshll.u32 s1, $0x6;
	s9 =	sshll.u32 s1, $0xE  }
0x9: {  	s10 =	sadd.s32 $0x600, s3;
	s7 =	sshll.u32 s4, $0x5;
	s5 =	sand.u32 $0x40, s5  }
0xa: {  	s4 =	ssub.s32 $0x2, s4;
	s9 =	sand.u32 $0x38000, s9;
	s5 =	sor.u32 s7, s5  }
.Ltmp0:
0xb: {  	s31 =	sshrl.u32 s4, $0x1;
	s9 =	sor.u32 s9, s5;
	(pc) =	sbr.rel .LBB2_1-.Ltmp0, $4  }
0xc: {  	_ =	strace $0x80000047;
	s11 =	ssub.s32 s4, s31;
	s3 =	sadd.s32 s6, s9  }
0xd: {  	v0 =	vlaneseq.u32;
	s4 =	sadd.s32 s10, s9;
	s5 =	sadd.s32 s8, s9;
	s9 =	sor.u32 $0x10, s9  }
0xe: {  	v1 =	vimm.s32 $0x0;
	v3 =	vimm.s32 $0x1;
	v4 =	vimm.s32 $0x80000000;
	s6 =	sadd.s32 s6, s9;
	s7 =	sadd.s32 s10, s9;
	s8 =	sadd.s32 s8, s9  }
0xf: {  	v5 =	vimm.f32 $0.0e+00;
	v6 =	vimm.f32 $1.000000000e+00;
	v2 =	vor.u32 $0x2000, v0;
	s9 =	smax.u32 s11, $0x1;
	s10 =	simm.s32 $0x80;
	s11 =	simm.s32 $0x400  }
.LBB2_77:
0x10: {  	s18 =	simm.s32 $0x0;
	s21 =	simm.s32 $0x1C480  }
.LBB2_94:
0x11: {  	vm0 =	veq.s32 v9, v7  }
0x12: {  	v7 =	vsel vm0, $0x1, v1  }
0x13: {  	(xrf0) =	vadd.scan.msk.s32 $0xffff, v7;
	_ =	sdelay $0x5  }
0x14: {  	v7, _, _ =	vpop (xrf0)  }
0x15: {  	(v2sf) =	vpush v7, $0xF;
	_ =	sdelay $0x3  }
0x16: {  	s22 =	spop @p0 (v2sf)  }
0x17: {  	s21 =	sadd.s32 @p0 $0x10, s21;
	s18 =	sadd.s32 @p0 s18, s22  }
0x18: {  	s20 =	smov.u32 @p0 s21;
	s19 =	smov.u32 @p0 s18  }
0x19: {  	v63 =	vld [tilespmem:s20+$0x0];
	v7 =	vadd.s32 s19, v7  }
0x1a: {  	vm1 =	vle.s32 v7, v8  }
0x1b: {  	vm0 =	vmand vm0, vm1;
	_ =	sdelay $0x5  }
0x1c: {  	[tilespmem:v63+s2+$0x0] =	vst.idx.msk vm0, v6;
	s31 =	spop (v2sf)  }
.LBB2_95:
0x1d: {  	s17 =	sadd.s32 $0x1, s17  }
0x1e: {  	p0 =	sne.s32 s17, s9  }
.Ltmp1:
0x1f: {  	_ = 	snop;
	(pc) =	sbr.rel @!p0 .LBB2_96-.Ltmp1, $4  }
0x20: {  	[hbm4b:s8+s10] =	stream.strided.scatter [tilespmem:s2], [sflag:$0x1], $0x8000, s11, s10, $0x38;
	[tilespmem:$0x1C900] =	vst v63  }
0x21: {  	_ =	swait.ge [sflag:s12], $0x8000  }
0x22: {  	[sflag:s12] =	ssyncset.done $0x0  }
0x23: {  	[sflag:s12] =	ssyncadd.s32 $0xFFFF8000  }
.LBB2_1:
0x24: {  	[tilespmem:s2], [sflag:$0x1] =	stream.strided.gather [hbm4b:s3+s10], $0x8000, s11, s10, $0x38;
	[tilespmem:$0x1C900] =	vst v63  }
0x25: {  	_ =	swait.ge [sflag:s12], $0x8000  }
0x26: {  	[sflag:s12] =	ssyncset.done $0x0  }
0x27: {  	[sflag:s12] =	ssyncadd.s32 $0xFFFF8000  }
0x28: {  	[tilespmem:s13], [sflag:$0x1] =	stream.strided.gather [hbm4b:s4+s10], $0x8000, s11, s10, $0x38;
	[tilespmem:$0x1C900] =	vst v63  }
0x29: {  	_ =	swait.ge [sflag:s12], $0x8000  }
0x2a: {  	[sflag:s12] =	ssyncset.done $0x0  }
0x2b: {  	s18 =	simm.s32 $0x40;
	s19 =	simm.s32 $0x0;
	[sflag:s12] =	ssyncadd.s32 $0xFFFF8000  }
.LBB2_2:
0x2c: {  	p0 =	sne.s32 s18, $0xFFC0;
	[tilespmem:s19+$0x18000] =	vst v1;
	s19 =	smov.u32 s18;
	s18 =	sadd.s32 $0x40, s18  }
.Ltmp2:
0x2d: {  	(pc) =	sbr.rel @p0 .LBB2_2-.Ltmp2, $2  }
0x2e: {  	_ =	sdelay $0x2  }
0x2f: {  	s19 =	sshra.s32 s19, $0x2  }
0x30: {  	[tilespmem:s19+$0x18000] =	vst v1;
	s18 =	simm.s32 $0x0;
	s19 =	simm.s32 $0x0  }
.LBB2_4:
0x31: {  	s20 =	sshra.s32 s19, $0x2  }
0x32: {  	v7 =	vld [tilespmem:s20+$0x0]  }
0x33: {  	v8 =	vld [tilespmem:s20+$0x8000];
	_ =	sdelay $0x4  }
0x34: {  	v7 =	vadd.f32 v8, v7;
	_ =	sdelay $0x1  }
0x35: {  	v8 =	vshra.s32 v7, $0x1F  }
0x36: {  	v8 =	vand.u32 $0x7FFFFFFF, v8  }
0x37: {  	v7 =	vxor.u32 v7, v8  }
0x38: {  	v8 =	vshrl.u32 v7, $0x12  }
0x39: {  	v8 =	vand.u32 $0x3FF0, v8  }
0x3a: {  	p0 =	sne.s32 s19, $0x1FFC0;
	v8 =	vxor.u32 v2, v8  }
.Ltmp3:
0x3b: {  	_ = 	snop;
	(pc) =	sbr.rel @p0 .LBB2_4-.Ltmp3, $3  }
0x3c: {  	_ =	sdelay $0x1  }
0x3d: {  	[tilespmem:s20+$0x10000] =	vst v7  }
0x3e: {  	s19 =	sadd.s32 $0x40, s19;
	[tilespmem:v8+s14+$0x0] =	vst.idx.add.s32.msk $0xffff, v3  }
0x3f: {  	s20 =	simm.s32 $0x1BFF0;
	s19 =	simm.s32 $0x400  }
.LBB2_6:
0x40: {  	v7 =	vld [tilespmem:s20+$0x0];
	_ =	sdelay $0x4  }
0x41: {  	(xrf0) =	vadd.scan.msk.s32 $0xffff, v7;
	_ =	sdelay $0x5  }
0x42: {  	v7, _, _ =	vpop (xrf0)  }
0x43: {  	(v2sf) =	vpush v7, $0xF;
	_ =	sdelay $0xe  }
0x44: {  	s21 =	spop (v2sf)  }
0x45: {  	s18 =	sadd.s32 s18, s21  }
0x46: {  	p0 =	slt.s32 s18, $0x40  }
.Ltmp4:
0x47: {  	_ = 	snop;
	(pc) =	sbr.rel @p0 .LBB2_6-.Ltmp4, $2  }
0x48: {  	_ =	sdelay $0x2  }
0x49: {  	s20 =	sadd.s32 $0xFFFFFFF0, s20;
	s19 =	sadd.s32 $0xFFFFFFFF, s19  }
0x4a: {  	s18 =	simm.s32 $0x10000  }
0x4b: {  	v7 =	vld [tilespmem:s18+$0x0];
	_ =	sdelay $0x1  }
0x4c: {  	s19 =	sshll.u32 s19, $0x16  }
0x4d: {  	s31 =	sxor.u32 $0x80000000, s19  }
0x4e: {  	v8 =	vmov s31  }
0x4f: {  	vm0 =	vge.s32 v7, v8  }
0x50: {  	v9 =	vsel vm0, $0x1, v1  }
0x51: {  	(xrf0) =	vadd.scan.msk.s32 $0xffff, v9;
	_ =	sdelay $0x1  }
0x52: {  	s20 =	simm.s32 $0x0  }
0x53: {  	v9 =	vmov s20  }
0x54: {  	v9 =	vadd.s32 $0xFFFFFFFF, v9  }
0x55: {  	v9 =	vbroadcast v9, $0x0  }
0x56: {  	v10, _, _ =	vpop (xrf0)  }
0x57: {  	v9 =	vadd.s32 v10, v9;
	(v2sf) =	vpush v10, $0xF  }
0x58: {  	vm1 =	vlt.s32 v9, $0x400  }
0x59: {  	vm0 =	vmand vm0, vm1;
	_ =	sdelay $0x5  }
0x5a: {  	[tilespmem:v9+s15+$0x0] =	vst.idx.msk vm0, v7;
	v7 =	vor.u32 s20, v0  }
0x5b: {  	s21 =	simm.s32 $0x10010;
	[tilespmem:v9+s16+$0x0] =	vst.idx.msk vm0, v7  }
0x5c: {  	s22 =	simm.s32 $0x20;
	s18 =	simm.s32 $0x10;
	v7 =	vld [tilespmem:s21+$0x0]  }
.LBB2_8:
0x5d: {  	p0 =	sne.s32 s22, $0x7FF0;
	_ =	sdelay $0x3  }
0x5e: {  	vm0 =	vge.s32 v7, v8;
	s23 =	spop (v2sf)  }
0x5f: {  	v9 =	vsel vm0, $0x1, v1;
	s20 =	sadd.s32 s20, s23  }
0x60: {  	v10 =	vmov s20;
	(xrf0) =	vadd.scan.msk.s32 $0xffff, v9  }
0x61: {  	v9 =	vadd.s32 $0xFFFFFFFF, v10  }
0x62: {  	v9 =	vbroadcast v9, $0x0;
	_ =	sdelay $0x3  }
0x63: {  	v10, _, _ =	vpop (xrf0)  }
0x64: {  	v9 =	vadd.s32 v10, v9;
	(v2sf) =	vpush v10, $0xF  }
0x65: {  	vm1 =	vlt.s32 v9, $0x400  }
0x66: {  	vm0 =	vmand vm0, vm1;
	_ =	sdelay $0x3  }
.Ltmp5:
0x67: {  	(pc) =	sbr.rel @p0 .LBB2_8-.Ltmp5, $4  }
0x68: {  	_ = 	snop  }
0x69: {  	[tilespmem:v9+s15+$0x0] =	vst.idx.msk vm0, v7;
	v7 =	vor.u32 s18, v0;
	s18 =	smov.u32 s22  }
0x6a: {  	s21 =	sadd.s32 $0x10, s21;
	[tilespmem:v9+s16+$0x0] =	vst.idx.msk vm0, v7  }
0x6b: {  	s22 =	sadd.s32 $0x10, s22;
	v7 =	vld [tilespmem:s21+$0x0]  }
0x6c: {  	_ =	sdelay $0x3  }
0x6d: {  	vm0 =	vge.s32 v7, v8  }
0x6e: {  	v8 =	vsel vm0, $0x1, v1  }
0x6f: {  	(xrf0) =	vadd.scan.msk.s32 $0xffff, v8;
	_ =	sdelay $0x5  }
0x70: {  	v8, _, _ =	vpop (xrf0)  }
0x71: {  	(v2sf) =	vpush v8, $0xF;
	_ =	sdelay $0x9  }
0x72: {  	s21 =	spop (v2sf)  }
0x73: {  	s20 =	sadd.s32 s20, s21  }
0x74: {  	v9 =	vmov s20  }
0x75: {  	v9 =	vadd.s32 $0xFFFFFFFF, v9  }
0x76: {  	v9 =	vbroadcast v9, $0x0  }
0x77: {  	s26 =	spop (v2sf)  }
0x78: {  	v8 =	vadd.s32 v8, v9;
	s20 =	sadd.s32 s20, s26  }
0x79: {  	vm1 =	vlt.s32 v8, $0x400;
	p0 =	slt.s32 s20, $0x400  }
0x7a: {  	vm0 =	vmand vm0, vm1;
	p1 =	slt.s32 s20, $0xFFFFFFF2;
	s20 =	simm.s32 @!p0 $0x400  }
0x7b: {  	v63 =	vadd.s32 s20, v0;
	s20 =	sadd.s32 $0xF, s20  }
0x7c: {  	vm15 =	vlt.s32 v63, $0x40F;
	s28 =	sand.u32 $0xF, s20  }
0x7d: {  	s29 =	sshra.s32 s20, $0x1F;
	v9 =	vnsel vm15, $0x40F, v63;
	p6 =	sne.s32 s28, $0x0  }
0x7e: {  	s21 =	sshrl.u32 s29, $0x1C;
	p0 =	por !p1, !p6  }
0x7f: {  	s20 =	sadd.s32 s21, s20;
	s21 =	simm.s32 $0x1;
	p0 =	por !p0, !p0  }
0x80: {  	[tilespmem:v8+s15+$0x0] =	vst.idx.msk vm0, v7;
	v7 =	vor.u32 s18, v0;
	s30 =	sshra.s32 s20, $0x4;
	s21 =	simm.s32 @!p0 $0x0  }
0x81: {  	s31 =	simm.s32 $0x0;
	[tilespmem:v8+s16+$0x0] =	vst.idx.msk vm0, v7;
	s20 =	sadd.s32 $0x7FFFFFFF, s19;
	s18 =	ssub.s32 s30, s21  }
0x82: {  	s21 =	sadd.s32 $0x803FFFFF, s19;
	s19 =	sadd.s32 $0x1, s31;
	[tilespmem:v9+s15+$0x0] =	vst.idx.msk $0xffff, v4;
	p0 =	slt.s32 s18, $0x1  }
.LBB2_10:
0x83: {  	s22 =	ssub.s32 s21, s20  }
0x84: {  	s23 =	sadd.s32 $0x1, s22;
	p1 =	slt.u32 s22, $0x7FFFFFFF;
	s22 =	simm.s32 $0x1  }
0x85: {  	s22 =	simm.s32 @!p1 $0x0;
	s24 =	sshra.s32 s23, $0x1F  }
0x86: {  	s30 =	sand.u32 $0x1, s23;
	s25 =	sshrl.u32 s23, $0x1F;
	s22 =	sadd.s32 s22, s24  }
.Ltmp6:
0x87: {  	p2 =	seq.s32 s30, $0x1;
	p6 =	sne.s32 s22, $0x1;
	(pc) =	sbr.rel @!p0 .LBB2_11-.Ltmp6, $4  }
0x88: {  	s31 =	sadd.s32 s25, s23;
	p1 =	por !p6, !p2  }
0x89: {  	s23 =	simm.s32 $0x1;
	s22 =	sshra.s32 s31, $0x1;
	p1 =	por !p1, !p1  }
0x8a: {  	s22 =	sadd.s32 s20, s22;
	s23 =	simm.s32 @!p1 $0x0  }
0x8b: {  	s23 =	ssub.s32 s22, s23  }
0x8c: {  	s19 =	sadd.s32 $0x1, s19  }
0x8d: {  	p1 =	seq.s32 s19, $0x18  }
.Ltmp7:
0x8e: {  	_ = 	snop;
	(pc) =	sbr.rel @!p1 .LBB2_10-.Ltmp7, $4  }
.Ltmp8:
0x8f: {  	_ = 	snop;
	(pc) =	sbr.rel @p1 .LBB2_26-.Ltmp8, $4  }
0x90: {  	_ = 	snop  }
0x91: {  	_ = 	snop  }
0x92: {  	s21 =	smov.u32 s23  }
0x93: {  	_ = 	snop  }
.LBB2_11:
0x94: {  	s22 =	simm.s32 $0x1C000  }
0x95: {  	p1 =	sne.s32 s18, $0x1;
	v8 =	vld [tilespmem:s22+$0x0]  }
.Ltmp9:
0x96: {  	_ = 	snop;
	(pc) =	sbr.rel @!p1 .LBB2_12-.Ltmp9, $4  }
0x97: {  	_ = 	snop  }
0x98: {  	s24 =	simm.s32 $0x0  }
0x99: {  	v7 =	vmov s23;
	s25 =	simm.s32 $0x1C010;
	p2 =	por $0x0, $0x0;
	p3 =	por $0x0, $0x0  }
0x9a: {  	p4 =	por $0x0, $0x0;
	p5 =	por $0x0, $0x0;
	s22 =	sadd.s32 $0xFFFFFFFF, s18;
	vm0 =	vgt.s32 v8, v7  }
0x9b: {  	v8 =	vld [tilespmem:s25+$0x0];
	p6 =	sne.s32 s22, $0x1  }
.Ltmp10:
0x9c: {  	_ = 	snop;
	(pc) =	sbr.rel @!p6 .LBB2_14-.Ltmp10, $3  }
0x9d: {  	_ =	sdelay $0x1  }
0x9e: {  	v9 =	vsel vm0, $0x1, v1  }
0x9f: {  	s25 =	sadd.s32 $0xFFFFFFFF, s22;
	s26 =	simm.s32 $0x1C020;
	p2 =	por $0x1, $0x1;
	(xrf0) =	vadd.scan.msk.s32 $0xffff, v9;
	vm0 =	vgt.s32 v8, v7  }
0xa0: {  	_ = 	snop  }
0xa1: {  	v8 =	vld [tilespmem:s26+$0x0];
	p6 =	sne.s32 s25, $0x1  }
.Ltmp11:
0xa2: {  	_ = 	snop;
	(pc) =	sbr.rel @!p6 .LBB2_16-.Ltmp11, $3  }
0xa3: {  	_ =	sdelay $0x1  }
0xa4: {  	v9 =	vsel vm0, $0x1, v1;
	v10, _, _ =	vpop (xrf0)  }
0xa5: {  	s25 =	sadd.s32 $0xFFFFFFFF, s25;
	s26 =	simm.s32 $0x1C030;
	p3 =	por $0x1, $0x1;
	(xrf0) =	vadd.scan.msk.s32 $0xffff, v9;
	vm0 =	vgt.s32 v8, v7;
	(v2sf) =	vpush v10, $0xF  }
0xa6: {  	_ =	sdelay $0x4  }
0xa7: {  	v10, _, _ =	vpop (xrf0)  }
0xa8: {  	(v2sf) =	vpush v10, $0xF;
	_ =	sdelay $0x3  }
0xa9: {  	v8 =	vld [tilespmem:s26+$0x0];
	p6 =	sne.s32 s25, $0x1  }
.Ltmp12:
0xaa: {  	_ = 	snop;
	(pc) =	sbr.rel @!p6 .LBB2_18-.Ltmp12, $3  }
0xab: {  	_ =	sdelay $0x1  }
0xac: {  	v9 =	vsel vm0, $0x1, v1  }
0xad: {  	s25 =	sadd.s32 $0xFFFFFFFF, s25;
	s26 =	simm.s32 $0x1C040;
	p4 =	por $0x1, $0x1;
	(xrf0) =	vadd.scan.msk.s32 $0xffff, v9;
	vm0 =	vgt.s32 v8, v7  }
0xae: {  	_ =	sdelay $0x4  }
0xaf: {  	v10, _, _ =	vpop (xrf0)  }
0xb0: {  	(v2sf) =	vpush v10, $0xF;
	_ =	sdelay $0x2  }
0xb1: {  	v8 =	vld [tilespmem:s26+$0x0];
	p6 =	sne.s32 s25, $0x1;
	v9 =	vsel vm0, $0x1, v1  }
.Ltmp13:
0xb2: {  	(xrf0) =	vadd.scan.msk.s32 $0xffff, v9;
	(pc) =	sbr.rel @!p6 .LBB2_20-.Ltmp13, $3  }
0xb3: {  	_ =	sdelay $0x1  }
0xb4: {  	s28 =	sadd.s32 $0xFFFFFFFF, s25;
	s29 =	simm.s32 $0x1C050  }
0xb5: {  	s26 =	spop (v2sf);
	p5 =	por $0x1, $0x1;
	s25 =	simm.s32 $0x0;
	vm0 =	vgt.s32 v8, v7  }
.LBB2_21:
0xb6: {  	v8 =	vld [tilespmem:s29+$0x0];
	p6 =	sne.s32 s28, $0x1;
	s28 =	sadd.s32 $0xFFFFFFFF, s28;
	v10 =	vsel vm0, $0x1, v1;
	s25 =	sadd.s32 s25, s26  }
.Ltmp14:
0xb7: {  	(xrf0) =	vadd.scan.msk.s32 $0xffff, v10;
	v9, _, _ =	vpop (xrf0);
	(pc) =	sbr.rel @p6 .LBB2_21-.Ltmp14, $2  }
0xb8: {  	(v2sf) =	vpush v9, $0xF;
	_ =	sdelay $0x3  }
0xb9: {  	s29 =	sadd.s32 $0x10, s29;
	vm0 =	vgt.s32 v8, v7;
	s26 =	spop (v2sf)  }
0xba: {  	_ = 	snop  }
.LBB2_23:
0xbb: {  	v7 =	vsel vm0, $0x1, v1  }
0xbc: {  	(xrf0) =	vadd.scan.msk.s32 $0xffff, v7;
	_ =	sdelay $0x2  }
0xbd: {  	v7, _, _ =	vpop @p2 (xrf0)  }
0xbe: {  	(v2sf) =	vpush @p2 v7, $0xF;
	_ =	sdelay $0x1  }
0xbf: {  	v7, _, _ =	vpop (xrf0)  }
0xc0: {  	(v2sf) =	vpush v7, $0xF;
	_ =	sdelay $0x7  }
0xc1: {  	s28 =	spop @p4 (v2sf);
	s25 =	sadd.s32 @p5 s25, s26;
	s26 =	simm.s32 $0x0  }
0xc2: {  	s28 =	smov.u32 @p4 s28;
	s26 =	smov.u32 @p5 s25  }
0xc3: {  	s25 =	sadd.s32 @p4 s26, s28;
	s28 =	simm.s32 $0x0;
	s26 =	spop @p3 (v2sf)  }
0xc4: {  	s28 =	smov.u32 @p4 s25;
	s26 =	smov.u32 @p3 s26  }
0xc5: {  	s25 =	sadd.s32 @p3 s28, s26;
	s28 =	simm.s32 $0x0;
	s26 =	spop @p2 (v2sf)  }
0xc6: {  	s28 =	smov.u32 @p3 s25;
	s26 =	smov.u32 @p2 s26  }
0xc7: {  	p3 =	seq.s32 s19, $0x17;
	s25 =	sadd.s32 @p2 s28, s26  }
.Ltmp15:
0xc8: {  	s24 =	smov.u32 @p2 s25;
	s31 =	spop (v2sf);
	(pc) =	sbr.rel @p3 .LBB2_31-.Ltmp15, $4  }
0xc9: {  	s24 =	sadd.s32 s24, s31  }
0xca: {  	p2 =	slt.s32 s24, $0x40;
	s24 =	smov.u32 s23  }
0xcb: {  	s24 =	smov.u32 @p2 s20  }
0xcc: {  	s21 =	smov.u32 @p2 s23;
	s20 =	smov.u32 s24  }
.Ltmp16:
0xcd: {  	(pc) =	sbr.rel .LBB2_10-.Ltmp16, $2  }
0xce: {  	_ =	sdelay $0x2  }
0xcf: {  	s19 =	sadd.s32 $0x1, s19  }
.LBB2_12:
.Ltmp17:
0xd0: {  	(pc) =	sbr.rel .LBB2_23-.Ltmp17, $2  }
0xd1: {  	_ =	sdelay $0x2  }
0xd2: {  	s25 =	simm.s32 $0x0  }
.LBB2_14:
.Ltmp18:
0xd3: {  	(pc) =	sbr.rel .LBB2_23-.Ltmp18, $2  }
0xd4: {  	_ =	sdelay $0x2  }
0xd5: {  	s25 =	simm.s32 $0x0  }
.LBB2_16:
.Ltmp19:
0xd6: {  	(pc) =	sbr.rel .LBB2_23-.Ltmp19, $2  }
0xd7: {  	_ =	sdelay $0x2  }
0xd8: {  	s25 =	simm.s32 $0x0  }
.LBB2_18:
.Ltmp20:
0xd9: {  	(pc) =	sbr.rel .LBB2_23-.Ltmp20, $2  }
0xda: {  	_ =	sdelay $0x2  }
0xdb: {  	s25 =	simm.s32 $0x0  }
.LBB2_20:
.Ltmp21:
0xdc: {  	(pc) =	sbr.rel .LBB2_23-.Ltmp21, $2  }
0xdd: {  	_ =	sdelay $0x2  }
0xde: {  	s25 =	simm.s32 $0x0  }
.LBB2_26:
0xdf: {  	v7 =	vmov s23;
	s19 =	simm.s32 $0x40;
	s20 =	simm.s32 $0x0  }
.LBB2_27:
0xe0: {  	s21 =	sshra.s32 s20, $0x2  }
0xe1: {  	v8 =	vld [tilespmem:s21+$0x10000];
	_ =	sdelay $0x1  }
0xe2: {  	p1 =	seq.s32 s20, $0x1FFC0  }
.Ltmp22:
0xe3: {  	_ = 	snop;
	(pc) =	sbr.rel @!p1 .LBB2_27-.Ltmp22, $4  }
0xe4: {  	_ = 	snop  }
0xe5: {  	vm0 =	vgt.s32 v8, v7  }
0xe6: {  	v8 =	vsel vm0, $0x3F800000, v5  }
0xe7: {  	s20 =	sadd.s32 $0x40, s20;
	[tilespmem:s21+$0x0] =	vst v8  }
.Ltmp23:
0xe8: {  	(pc) =	sbr.rel @p0 .LBB2_48-.Ltmp23, $1  }
0xe9: {  	_ =	sdelay $0x3  }
0xea: {  	p1 =	sne.s32 s18, $0x1  }
.Ltmp24:
0xeb: {  	_ = 	snop;
	(pc) =	sbr.rel @!p1 .LBB2_30-.Ltmp24, $3  }
0xec: {  	_ =	sdelay $0x1  }
0xed: {  	v8 =	vmov s19;
	s19 =	simm.s32 $0x0;
	s21 =	simm.s32 $0x1C000  }
0xee: {  	s20 =	simm.s32 $0x1C480;
	s18 =	sadd.s32 $0xFFFFFFFF, s18;
	p0 =	por $0x0, $0x0;
	v9 =	vld [tilespmem:s21+$0x0]  }
0xef: {  	_ =	sdelay $0x3  }
0xf0: {  	vm0 =	veq.s32 v9, v7  }
0xf1: {  	v9 =	vsel vm0, $0x1, v1  }
0xf2: {  	(xrf0) =	vadd.scan.msk.s32 $0xffff, v9;
	_ =	sdelay $0x5  }
0xf3: {  	v9, _, _ =	vpop (xrf0)  }
0xf4: {  	v10 =	vld [tilespmem:s20+$0x0];
	v11 =	vadd.s32 s19, v9;
	(v2sf) =	vpush v9, $0xF  }
0xf5: {  	vm1 =	vle.s32 v11, v8  }
0xf6: {  	vm0 =	vmand vm0, vm1;
	_ =	sdelay $0x1  }
0xf7: {  	p1 =	sne.s32 s18, $0x1  }
.Ltmp25:
0xf8: {  	_ = 	snop;
	(pc) =	sbr.rel @!p1 .LBB2_45-.Ltmp25, $3  }
0xf9: {  	_ =	sdelay $0x1  }
0xfa: {  	s22 =	simm.s32 $0x1C010;
	s23 =	sadd.s32 $0xFFFFFFFF, s18;
	[tilespmem:v10+s2+$0x0] =	vst.idx.msk vm0, v6  }
0xfb: {  	p0 =	por $0x1, $0x1;
	s18 =	simm.s32 $0x0;
	s21 =	simm.s32 $0x1C480;
	v9 =	vld [tilespmem:s22+$0x0]  }
.LBB2_46:
0xfc: {  	p1 =	sne.s32 s23, $0x1;
	_ =	sdelay $0x3  }
0xfd: {  	vm0 =	veq.s32 v9, v7  }
0xfe: {  	v9 =	vsel vm0, $0x1, v1;
	s24 =	spop (v2sf)  }
0xff: {  	(xrf0) =	vadd.scan.msk.s32 $0xffff, v9;
	s18 =	sadd.s32 s18, s24;
	_ =	sdelay $0x5  }
0x100: {  	s21 =	sadd.s32 $0x10, s21;
	v9, _, _ =	vpop (xrf0)  }
0x101: {  	v10 =	vld [tilespmem:s21+$0x0];
	v11 =	vadd.s32 s18, v9;
	(v2sf) =	vpush v9, $0xF  }
0x102: {  	vm1 =	vle.s32 v11, v8  }
0x103: {  	vm0 =	vmand vm0, vm1;
	_ =	sdelay $0x2  }
.Ltmp26:
0x104: {  	(pc) =	sbr.rel @p1 .LBB2_46-.Ltmp26, $3  }
0x105: {  	_ =	sdelay $0x1  }
0x106: {  	s22 =	sadd.s32 $0x10, s22;
	[tilespmem:v10+s2+$0x0] =	vst.idx.msk vm0, v6  }
0x107: {  	s23 =	sadd.s32 $0xFFFFFFFF, s23;
	v9 =	vld [tilespmem:s22+$0x0]  }
.LBB2_47:
0x108: {  	_ =	sdelay $0x3  }
0x109: {  	vm0 =	veq.s32 v9, v7  }
0x10a: {  	v7 =	vsel vm0, $0x1, v1  }
0x10b: {  	(xrf0) =	vadd.scan.msk.s32 $0xffff, v7;
	_ =	sdelay $0x5  }
0x10c: {  	v7, _, _ =	vpop (xrf0)  }
0x10d: {  	(v2sf) =	vpush v7, $0xF;
	_ =	sdelay $0x3  }
0x10e: {  	s22 =	spop @p0 (v2sf)  }
0x10f: {  	s21 =	sadd.s32 @p0 $0x10, s21;
	s18 =	sadd.s32 @p0 s18, s22  }
0x110: {  	s20 =	smov.u32 @p0 s21;
	s19 =	smov.u32 @p0 s18  }
0x111: {  	v63 =	vld [tilespmem:s20+$0x0];
	v7 =	vadd.s32 s19, v7  }
0x112: {  	vm1 =	vle.s32 v7, v8  }
0x113: {  	vm0 =	vmand vm0, vm1;
	_ =	sdelay $0x5  }
0x114: {  	[tilespmem:v63+s2+$0x0] =	vst.idx.msk vm0, v6;
	s31 =	spop (v2sf)  }
.LBB2_48:
0x115: {  	s18 =	simm.s32 $0x0  }
0x116: {  	[hbm4b:s5+s10] =	stream.strided.scatter [tilespmem:s18], [sflag:$0x1], $0x8000, s11, s10, $0x38;
	[tilespmem:$0x1C900] =	vst v63  }
0x117: {  	_ =	swait.ge [sflag:s12], $0x8000  }
0x118: {  	[sflag:s12] =	ssyncset.done $0x0  }
0x119: {  	[sflag:s12] =	ssyncadd.s32 $0xFFFF8000  }
0x11a: {  	[tilespmem:s18], [sflag:$0x1] =	stream.strided.gather [hbm4b:s6+s10], $0x8000, s11, s10, $0x38;
	[tilespmem:$0x1C900] =	vst v63  }
0x11b: {  	_ =	swait.ge [sflag:s12], $0x8000  }
0x11c: {  	[sflag:s12] =	ssyncset.done $0x0  }
0x11d: {  	[sflag:s12] =	ssyncadd.s32 $0xFFFF8000  }
0x11e: {  	[tilespmem:s13], [sflag:$0x1] =	stream.strided.gather [hbm4b:s7+s10], $0x8000, s11, s10, $0x38;
	[tilespmem:$0x1C900] =	vst v63  }
0x11f: {  	_ =	swait.ge [sflag:s12], $0x8000  }
0x120: {  	[sflag:s12] =	ssyncset.done $0x0  }
0x121: {  	s19 =	simm.s32 $0x40;
	s20 =	simm.s32 $0x0;
	[sflag:s12] =	ssyncadd.s32 $0xFFFF8000  }
.LBB2_49:
0x122: {  	p0 =	sne.s32 s19, $0xFFC0;
	[tilespmem:s20+$0x18000] =	vst v1;
	s20 =	smov.u32 s19;
	s19 =	sadd.s32 $0x40, s19  }
.Ltmp27:
0x123: {  	(pc) =	sbr.rel @p0 .LBB2_49-.Ltmp27, $2  }
0x124: {  	_ =	sdelay $0x2  }
0x125: {  	s20 =	sshra.s32 s20, $0x2  }
0x126: {  	[tilespmem:s20+$0x18000] =	vst v1  }
.LBB2_51:
0x127: {  	s19 =	sshra.s32 s18, $0x2  }
0x128: {  	v7 =	vld [tilespmem:s19+$0x0]  }
0x129: {  	v8 =	vld [tilespmem:s19+$0x8000];
	_ =	sdelay $0x4  }
0x12a: {  	v7 =	vadd.f32 v8, v7;
	_ =	sdelay $0x1  }
0x12b: {  	v8 =	vshra.s32 v7, $0x1F  }
0x12c: {  	v8 =	vand.u32 $0x7FFFFFFF, v8  }
0x12d: {  	v7 =	vxor.u32 v7, v8  }
0x12e: {  	v8 =	vshrl.u32 v7, $0x12  }
0x12f: {  	v8 =	vand.u32 $0x3FF0, v8  }
0x130: {  	p0 =	sne.s32 s18, $0x1FFC0;
	v8 =	vxor.u32 v2, v8  }
.Ltmp28:
0x131: {  	_ = 	snop;
	(pc) =	sbr.rel @p0 .LBB2_51-.Ltmp28, $3  }
0x132: {  	_ =	sdelay $0x1  }
0x133: {  	[tilespmem:s19+$0x10000] =	vst v7  }
0x134: {  	s18 =	sadd.s32 $0x40, s18;
	[tilespmem:v8+s14+$0x0] =	vst.idx.add.s32.msk $0xffff, v3  }
0x135: {  	s19 =	simm.s32 $0x0;
	s20 =	simm.s32 $0x1BFF0;
	s18 =	simm.s32 $0x400  }
.LBB2_53:
0x136: {  	v7 =	vld [tilespmem:s20+$0x0];
	_ =	sdelay $0x4  }
0x137: {  	(xrf0) =	vadd.scan.msk.s32 $0xffff, v7;
	_ =	sdelay $0x5  }
0x138: {  	v7, _, _ =	vpop (xrf0)  }
0x139: {  	(v2sf) =	vpush v7, $0xF;
	_ =	sdelay $0xe  }
0x13a: {  	s21 =	spop (v2sf)  }
0x13b: {  	s19 =	sadd.s32 s19, s21  }
0x13c: {  	p0 =	slt.s32 s19, $0x40  }
.Ltmp29:
0x13d: {  	_ = 	snop;
	(pc) =	sbr.rel @p0 .LBB2_53-.Ltmp29, $2  }
0x13e: {  	_ =	sdelay $0x2  }
0x13f: {  	s20 =	sadd.s32 $0xFFFFFFF0, s20;
	s18 =	sadd.s32 $0xFFFFFFFF, s18  }
0x140: {  	s19 =	simm.s32 $0x10000  }
0x141: {  	v7 =	vld [tilespmem:s19+$0x0];
	_ =	sdelay $0x1  }
0x142: {  	s19 =	sshll.u32 s18, $0x16  }
0x143: {  	s18 =	sxor.u32 $0x80000000, s19  }
0x144: {  	v8 =	vmov s18  }
0x145: {  	vm0 =	vge.s32 v7, v8  }
0x146: {  	v9 =	vsel vm0, $0x1, v1  }
0x147: {  	(xrf0) =	vadd.scan.msk.s32 $0xffff, v9;
	_ =	sdelay $0x1  }
0x148: {  	s20 =	simm.s32 $0x0  }
0x149: {  	v9 =	vmov s20  }
0x14a: {  	v9 =	vadd.s32 $0xFFFFFFFF, v9  }
0x14b: {  	v9 =	vbroadcast v9, $0x0  }
0x14c: {  	v10, _, _ =	vpop (xrf0)  }
0x14d: {  	v9 =	vadd.s32 v10, v9;
	(v2sf) =	vpush v10, $0xF  }
0x14e: {  	vm1 =	vlt.s32 v9, $0x400  }
0x14f: {  	vm0 =	vmand vm0, vm1;
	_ =	sdelay $0x5  }
0x150: {  	[tilespmem:v9+s15+$0x0] =	vst.idx.msk vm0, v7;
	v7 =	vor.u32 s20, v0  }
0x151: {  	s21 =	simm.s32 $0x10010;
	[tilespmem:v9+s16+$0x0] =	vst.idx.msk vm0, v7  }
0x152: {  	s22 =	simm.s32 $0x20;
	s18 =	simm.s32 $0x10;
	v7 =	vld [tilespmem:s21+$0x0]  }
.LBB2_55:
0x153: {  	p0 =	sne.s32 s22, $0x7FF0;
	_ =	sdelay $0x3  }
0x154: {  	vm0 =	vge.s32 v7, v8;
	s23 =	spop (v2sf)  }
0x155: {  	v9 =	vsel vm0, $0x1, v1;
	s20 =	sadd.s32 s20, s23  }
0x156: {  	v10 =	vmov s20;
	(xrf0) =	vadd.scan.msk.s32 $0xffff, v9  }
0x157: {  	v9 =	vadd.s32 $0xFFFFFFFF, v10  }
0x158: {  	v9 =	vbroadcast v9, $0x0;
	_ =	sdelay $0x3  }
0x159: {  	v10, _, _ =	vpop (xrf0)  }
0x15a: {  	v9 =	vadd.s32 v10, v9;
	(v2sf) =	vpush v10, $0xF  }
0x15b: {  	vm1 =	vlt.s32 v9, $0x400  }
0x15c: {  	vm0 =	vmand vm0, vm1;
	_ =	sdelay $0x3  }
.Ltmp30:
0x15d: {  	(pc) =	sbr.rel @p0 .LBB2_55-.Ltmp30, $4  }
0x15e: {  	_ = 	snop  }
0x15f: {  	[tilespmem:v9+s15+$0x0] =	vst.idx.msk vm0, v7;
	v7 =	vor.u32 s18, v0;
	s18 =	smov.u32 s22  }
0x160: {  	s21 =	sadd.s32 $0x10, s21;
	[tilespmem:v9+s16+$0x0] =	vst.idx.msk vm0, v7  }
0x161: {  	s22 =	sadd.s32 $0x10, s22;
	v7 =	vld [tilespmem:s21+$0x0]  }
0x162: {  	_ =	sdelay $0x3  }
0x163: {  	vm0 =	vge.s32 v7, v8  }
0x164: {  	v8 =	vsel vm0, $0x1, v1  }
0x165: {  	(xrf0) =	vadd.scan.msk.s32 $0xffff, v8;
	_ =	sdelay $0x5  }
0x166: {  	v8, _, _ =	vpop (xrf0)  }
0x167: {  	(v2sf) =	vpush v8, $0xF;
	_ =	sdelay $0x9  }
0x168: {  	s21 =	spop (v2sf)  }
0x169: {  	s20 =	sadd.s32 s20, s21  }
0x16a: {  	v9 =	vmov s20  }
0x16b: {  	v9 =	vadd.s32 $0xFFFFFFFF, v9  }
0x16c: {  	v9 =	vbroadcast v9, $0x0  }
0x16d: {  	s26 =	spop (v2sf)  }
0x16e: {  	v8 =	vadd.s32 v8, v9;
	s20 =	sadd.s32 s20, s26  }
0x16f: {  	vm1 =	vlt.s32 v8, $0x400;
	p0 =	slt.s32 s20, $0x400  }
0x170: {  	vm0 =	vmand vm0, vm1;
	p1 =	slt.s32 s20, $0xFFFFFFF2;
	s20 =	simm.s32 @!p0 $0x400  }
0x171: {  	v63 =	vadd.s32 s20, v0;
	s20 =	sadd.s32 $0xF, s20  }
0x172: {  	vm15 =	vlt.s32 v63, $0x40F;
	s28 =	sand.u32 $0xF, s20  }
0x173: {  	s29 =	sshra.s32 s20, $0x1F;
	v9 =	vnsel vm15, $0x40F, v63;
	p6 =	sne.s32 s28, $0x0  }
0x174: {  	s21 =	sshrl.u32 s29, $0x1C;
	p0 =	por !p1, !p6  }
0x175: {  	s20 =	sadd.s32 s21, s20;
	s21 =	simm.s32 $0x1;
	p0 =	por !p0, !p0  }
0x176: {  	[tilespmem:v8+s15+$0x0] =	vst.idx.msk vm0, v7;
	v7 =	vor.u32 s18, v0;
	s30 =	sshra.s32 s20, $0x4;
	s21 =	simm.s32 @!p0 $0x0  }
0x177: {  	s31 =	simm.s32 $0x0;
	[tilespmem:v8+s16+$0x0] =	vst.idx.msk vm0, v7;
	s20 =	sadd.s32 $0x7FFFFFFF, s19;
	s18 =	ssub.s32 s30, s21  }
0x178: {  	s21 =	sadd.s32 $0x803FFFFF, s19;
	s19 =	sadd.s32 $0x1, s31;
	[tilespmem:v9+s15+$0x0] =	vst.idx.msk $0xffff, v4;
	p0 =	slt.s32 s18, $0x1  }
.LBB2_57:
0x179: {  	s22 =	ssub.s32 s21, s20  }
0x17a: {  	s23 =	sadd.s32 $0x1, s22;
	p1 =	slt.u32 s22, $0x7FFFFFFF;
	s22 =	simm.s32 $0x1  }
0x17b: {  	s22 =	simm.s32 @!p1 $0x0;
	s24 =	sshra.s32 s23, $0x1F  }
0x17c: {  	s30 =	sand.u32 $0x1, s23;
	s25 =	sshrl.u32 s23, $0x1F;
	s22 =	sadd.s32 s22, s24  }
.Ltmp31:
0x17d: {  	p2 =	seq.s32 s30, $0x1;
	p6 =	sne.s32 s22, $0x1;
	(pc) =	sbr.rel @!p0 .LBB2_58-.Ltmp31, $4  }
0x17e: {  	s31 =	sadd.s32 s25, s23;
	p1 =	por !p6, !p2  }
0x17f: {  	s23 =	simm.s32 $0x1;
	s22 =	sshra.s32 s31, $0x1;
	p1 =	por !p1, !p1  }
0x180: {  	s22 =	sadd.s32 s20, s22;
	s23 =	simm.s32 @!p1 $0x0  }
0x181: {  	s23 =	ssub.s32 s22, s23  }
0x182: {  	s19 =	sadd.s32 $0x1, s19  }
0x183: {  	p1 =	seq.s32 s19, $0x18  }
.Ltmp32:
0x184: {  	_ = 	snop;
	(pc) =	sbr.rel @!p1 .LBB2_57-.Ltmp32, $4  }
.Ltmp33:
0x185: {  	_ = 	snop;
	(pc) =	sbr.rel @p1 .LBB2_73-.Ltmp33, $4  }
0x186: {  	_ = 	snop  }
0x187: {  	_ = 	snop  }
0x188: {  	s21 =	smov.u32 s23  }
0x189: {  	_ = 	snop  }
.LBB2_58:
0x18a: {  	s22 =	simm.s32 $0x1C000  }
0x18b: {  	p1 =	sne.s32 s18, $0x1;
	v8 =	vld [tilespmem:s22+$0x0]  }
.Ltmp34:
0x18c: {  	_ = 	snop;
	(pc) =	sbr.rel @!p1 .LBB2_59-.Ltmp34, $4  }
0x18d: {  	_ = 	snop  }
0x18e: {  	s24 =	simm.s32 $0x0  }
0x18f: {  	v7 =	vmov s23;
	s25 =	simm.s32 $0x1C010;
	p2 =	por $0x0, $0x0;
	p3 =	por $0x0, $0x0  }
0x190: {  	p4 =	por $0x0, $0x0;
	p5 =	por $0x0, $0x0;
	s22 =	sadd.s32 $0xFFFFFFFF, s18;
	vm0 =	vgt.s32 v8, v7  }
0x191: {  	v8 =	vld [tilespmem:s25+$0x0];
	p6 =	sne.s32 s22, $0x1  }
.Ltmp35:
0x192: {  	_ = 	snop;
	(pc) =	sbr.rel @!p6 .LBB2_61-.Ltmp35, $3  }
0x193: {  	_ =	sdelay $0x1  }
0x194: {  	v9 =	vsel vm0, $0x1, v1  }
0x195: {  	s25 =	sadd.s32 $0xFFFFFFFF, s22;
	s26 =	simm.s32 $0x1C020;
	p2 =	por $0x1, $0x1;
	(xrf0) =	vadd.scan.msk.s32 $0xffff, v9;
	vm0 =	vgt.s32 v8, v7  }
0x196: {  	_ = 	snop  }
0x197: {  	v8 =	vld [tilespmem:s26+$0x0];
	p6 =	sne.s32 s25, $0x1  }
.Ltmp36:
0x198: {  	_ = 	snop;
	(pc) =	sbr.rel @!p6 .LBB2_63-.Ltmp36, $3  }
0x199: {  	_ =	sdelay $0x1  }
0x19a: {  	v9 =	vsel vm0, $0x1, v1;
	v10, _, _ =	vpop (xrf0)  }
0x19b: {  	s25 =	sadd.s32 $0xFFFFFFFF, s25;
	s26 =	simm.s32 $0x1C030;
	p3 =	por $0x1, $0x1;
	(xrf0) =	vadd.scan.msk.s32 $0xffff, v9;
	vm0 =	vgt.s32 v8, v7;
	(v2sf) =	vpush v10, $0xF  }
0x19c: {  	_ =	sdelay $0x4  }
0x19d: {  	v10, _, _ =	vpop (xrf0)  }
0x19e: {  	(v2sf) =	vpush v10, $0xF;
	_ =	sdelay $0x3  }
0x19f: {  	v8 =	vld [tilespmem:s26+$0x0];
	p6 =	sne.s32 s25, $0x1  }
.Ltmp37:
0x1a0: {  	_ = 	snop;
	(pc) =	sbr.rel @!p6 .LBB2_65-.Ltmp37, $3  }
0x1a1: {  	_ =	sdelay $0x1  }
0x1a2: {  	v9 =	vsel vm0, $0x1, v1  }
0x1a3: {  	s25 =	sadd.s32 $0xFFFFFFFF, s25;
	s26 =	simm.s32 $0x1C040;
	p4 =	por $0x1, $0x1;
	(xrf0) =	vadd.scan.msk.s32 $0xffff, v9;
	vm0 =	vgt.s32 v8, v7  }
0x1a4: {  	_ =	sdelay $0x4  }
0x1a5: {  	v10, _, _ =	vpop (xrf0)  }
0x1a6: {  	(v2sf) =	vpush v10, $0xF;
	_ =	sdelay $0x2  }
0x1a7: {  	v8 =	vld [tilespmem:s26+$0x0];
	p6 =	sne.s32 s25, $0x1;
	v9 =	vsel vm0, $0x1, v1  }
.Ltmp38:
0x1a8: {  	(xrf0) =	vadd.scan.msk.s32 $0xffff, v9;
	(pc) =	sbr.rel @!p6 .LBB2_67-.Ltmp38, $3  }
0x1a9: {  	_ =	sdelay $0x1  }
0x1aa: {  	s28 =	sadd.s32 $0xFFFFFFFF, s25;
	s29 =	simm.s32 $0x1C050  }
0x1ab: {  	s26 =	spop (v2sf);
	p5 =	por $0x1, $0x1;
	s25 =	simm.s32 $0x0;
	vm0 =	vgt.s32 v8, v7  }
.LBB2_68:
0x1ac: {  	v8 =	vld [tilespmem:s29+$0x0];
	p6 =	sne.s32 s28, $0x1;
	s28 =	sadd.s32 $0xFFFFFFFF, s28;
	v10 =	vsel vm0, $0x1, v1;
	s25 =	sadd.s32 s25, s26  }
.Ltmp39:
0x1ad: {  	(xrf0) =	vadd.scan.msk.s32 $0xffff, v10;
	v9, _, _ =	vpop (xrf0);
	(pc) =	sbr.rel @p6 .LBB2_68-.Ltmp39, $2  }
0x1ae: {  	(v2sf) =	vpush v9, $0xF;
	_ =	sdelay $0x3  }
0x1af: {  	s29 =	sadd.s32 $0x10, s29;
	vm0 =	vgt.s32 v8, v7;
	s26 =	spop (v2sf)  }
0x1b0: {  	_ = 	snop  }
.LBB2_70:
0x1b1: {  	v7 =	vsel vm0, $0x1, v1  }
0x1b2: {  	(xrf0) =	vadd.scan.msk.s32 $0xffff, v7;
	_ =	sdelay $0x2  }
0x1b3: {  	v7, _, _ =	vpop @p2 (xrf0)  }
0x1b4: {  	(v2sf) =	vpush @p2 v7, $0xF;
	_ =	sdelay $0x1  }
0x1b5: {  	v7, _, _ =	vpop (xrf0)  }
0x1b6: {  	(v2sf) =	vpush v7, $0xF;
	_ =	sdelay $0x7  }
0x1b7: {  	s28 =	spop @p4 (v2sf);
	s25 =	sadd.s32 @p5 s25, s26;
	s26 =	simm.s32 $0x0  }
0x1b8: {  	s28 =	smov.u32 @p4 s28;
	s26 =	smov.u32 @p5 s25  }
0x1b9: {  	s25 =	sadd.s32 @p4 s26, s28;
	s28 =	simm.s32 $0x0;
	s26 =	spop @p3 (v2sf)  }
0x1ba: {  	s28 =	smov.u32 @p4 s25;
	s26 =	smov.u32 @p3 s26  }
0x1bb: {  	s25 =	sadd.s32 @p3 s28, s26;
	s28 =	simm.s32 $0x0;
	s26 =	spop @p2 (v2sf)  }
0x1bc: {  	s28 =	smov.u32 @p3 s25;
	s26 =	smov.u32 @p2 s26  }
0x1bd: {  	p3 =	seq.s32 s19, $0x17;
	s25 =	sadd.s32 @p2 s28, s26  }
.Ltmp40:
0x1be: {  	s24 =	smov.u32 @p2 s25;
	s31 =	spop (v2sf);
	(pc) =	sbr.rel @p3 .LBB2_78-.Ltmp40, $4  }
0x1bf: {  	s24 =	sadd.s32 s24, s31  }
0x1c0: {  	p2 =	slt.s32 s24, $0x40;
	s24 =	smov.u32 s23  }
0x1c1: {  	s24 =	smov.u32 @p2 s20  }
0x1c2: {  	s21 =	smov.u32 @p2 s23;
	s20 =	smov.u32 s24  }
.Ltmp41:
0x1c3: {  	(pc) =	sbr.rel .LBB2_57-.Ltmp41, $2  }
0x1c4: {  	_ =	sdelay $0x2  }
0x1c5: {  	s19 =	sadd.s32 $0x1, s19  }
.LBB2_59:
.Ltmp42:
0x1c6: {  	(pc) =	sbr.rel .LBB2_70-.Ltmp42, $2  }
0x1c7: {  	_ =	sdelay $0x2  }
0x1c8: {  	s25 =	simm.s32 $0x0  }
.LBB2_61:
.Ltmp43:
0x1c9: {  	(pc) =	sbr.rel .LBB2_70-.Ltmp43, $2  }
0x1ca: {  	_ =	sdelay $0x2  }
0x1cb: {  	s25 =	simm.s32 $0x0  }
.LBB2_63:
.Ltmp44:
0x1cc: {  	(pc) =	sbr.rel .LBB2_70-.Ltmp44, $2  }
0x1cd: {  	_ =	sdelay $0x2  }
0x1ce: {  	s25 =	simm.s32 $0x0  }
.LBB2_65:
.Ltmp45:
0x1cf: {  	(pc) =	sbr.rel .LBB2_70-.Ltmp45, $2  }
0x1d0: {  	_ =	sdelay $0x2  }
0x1d1: {  	s25 =	simm.s32 $0x0  }
.LBB2_67:
.Ltmp46:
0x1d2: {  	(pc) =	sbr.rel .LBB2_70-.Ltmp46, $2  }
0x1d3: {  	_ =	sdelay $0x2  }
0x1d4: {  	s25 =	simm.s32 $0x0  }
.LBB2_73:
0x1d5: {  	v7 =	vmov s23;
	s19 =	simm.s32 $0x40;
	s20 =	simm.s32 $0x0  }
.LBB2_74:
0x1d6: {  	s21 =	sshra.s32 s20, $0x2  }
0x1d7: {  	v8 =	vld [tilespmem:s21+$0x10000];
	_ =	sdelay $0x1  }
0x1d8: {  	p1 =	seq.s32 s20, $0x1FFC0  }
.Ltmp47:
0x1d9: {  	_ = 	snop;
	(pc) =	sbr.rel @!p1 .LBB2_74-.Ltmp47, $4  }
0x1da: {  	_ = 	snop  }
0x1db: {  	vm0 =	vgt.s32 v8, v7  }
0x1dc: {  	v8 =	vsel vm0, $0x3F800000, v5  }
0x1dd: {  	s20 =	sadd.s32 $0x40, s20;
	[tilespmem:s21+$0x0] =	vst v8  }
.Ltmp48:
0x1de: {  	(pc) =	sbr.rel @p0 .LBB2_95-.Ltmp48, $1  }
0x1df: {  	_ =	sdelay $0x3  }
0x1e0: {  	s21 =	simm.s32 $0x1C000;
	p1 =	sne.s32 s18, $0x1  }
.Ltmp49:
0x1e1: {  	v9 =	vld [tilespmem:s21+$0x0];
	(pc) =	sbr.rel @!p1 .LBB2_77-.Ltmp49, $3  }
0x1e2: {  	_ =	sdelay $0x1  }
0x1e3: {  	v8 =	vmov s19;
	s19 =	simm.s32 $0x0  }
0x1e4: {  	s20 =	simm.s32 $0x1C480;
	s18 =	sadd.s32 $0xFFFFFFFF, s18;
	p0 =	por $0x0, $0x0  }
0x1e5: {  	vm0 =	veq.s32 v9, v7  }
0x1e6: {  	v9 =	vsel vm0, $0x1, v1  }
0x1e7: {  	(xrf0) =	vadd.scan.msk.s32 $0xffff, v9;
	_ =	sdelay $0x5  }
0x1e8: {  	v9, _, _ =	vpop (xrf0)  }
0x1e9: {  	v10 =	vld [tilespmem:s20+$0x0];
	v11 =	vadd.s32 s19, v9  }
0x1ea: {  	vm1 =	vle.s32 v11, v8  }
0x1eb: {  	vm0 =	vmand vm0, vm1;
	_ =	sdelay $0x1  }
0x1ec: {  	(v2sf) =	vpush v9, $0xF;
	_ =	sdelay $0x3  }
0x1ed: {  	p1 =	sne.s32 s18, $0x1;
	s22 =	simm.s32 $0x1C010;
	[tilespmem:v10+s2+$0x0] =	vst.idx.msk vm0, v6  }
.Ltmp50:
0x1ee: {  	v9 =	vld [tilespmem:s22+$0x0];
	(pc) =	sbr.rel @!p1 .LBB2_92-.Ltmp50, $3  }
0x1ef: {  	_ =	sdelay $0x1  }
0x1f0: {  	s23 =	sadd.s32 $0xFFFFFFFF, s18  }
0x1f1: {  	p0 =	por $0x1, $0x1;
	s18 =	simm.s32 $0x0;
	s21 =	simm.s32 $0x1C480  }
.LBB2_93:
0x1f2: {  	p1 =	sne.s32 s23, $0x1;
	_ =	sdelay $0x3  }
0x1f3: {  	vm0 =	veq.s32 v9, v7  }
0x1f4: {  	v9 =	vsel vm0, $0x1, v1;
	s24 =	spop (v2sf)  }
0x1f5: {  	(xrf0) =	vadd.scan.msk.s32 $0xffff, v9;
	s18 =	sadd.s32 s18, s24;
	_ =	sdelay $0x5  }
0x1f6: {  	s21 =	sadd.s32 $0x10, s21;
	v9, _, _ =	vpop (xrf0)  }
0x1f7: {  	v10 =	vld [tilespmem:s21+$0x0];
	v11 =	vadd.s32 s18, v9;
	(v2sf) =	vpush v9, $0xF  }
0x1f8: {  	vm1 =	vle.s32 v11, v8  }
0x1f9: {  	vm0 =	vmand vm0, vm1;
	_ =	sdelay $0x2  }
.Ltmp51:
0x1fa: {  	(pc) =	sbr.rel @p1 .LBB2_93-.Ltmp51, $3  }
0x1fb: {  	_ =	sdelay $0x1  }
0x1fc: {  	s22 =	sadd.s32 $0x10, s22;
	[tilespmem:v10+s2+$0x0] =	vst.idx.msk vm0, v6  }
0x1fd: {  	s23 =	sadd.s32 $0xFFFFFFFF, s23;
	v9 =	vld [tilespmem:s22+$0x0]  }
.Ltmp52:
0x1fe: {  	_ = 	snop;
	(pc) =	sbr.rel .LBB2_94-.Ltmp52, $1  }
0x1ff: {  	_ =	sdelay $0x3  }
.LBB2_31:
0x200: {  	s20 =	simm.s32 $0x1C000  }
0x201: {  	v8 =	vld [tilespmem:s20+$0x0]  }
.Ltmp53:
0x202: {  	_ = 	snop;
	(pc) =	sbr.rel @!p1 .LBB2_32-.Ltmp53, $3  }
0x203: {  	_ =	sdelay $0x1  }
0x204: {  	v7 =	vmov s21;
	s19 =	simm.s32 $0x0;
	p2 =	por $0x0, $0x0;
	p3 =	por $0x0, $0x0  }
0x205: {  	p4 =	por $0x0, $0x0;
	p5 =	por $0x0, $0x0;
	s20 =	simm.s32 $0x1C010;
	vm0 =	vgt.s32 v8, v7  }
0x206: {  	v8 =	vld [tilespmem:s20+$0x0];
	p1 =	sne.s32 s22, $0x1  }
.Ltmp54:
0x207: {  	_ = 	snop;
	(pc) =	sbr.rel @!p1 .LBB2_34-.Ltmp54, $3  }
0x208: {  	_ =	sdelay $0x1  }
0x209: {  	v9 =	vsel vm0, $0x1, v1  }
0x20a: {  	s20 =	sadd.s32 $0xFFFFFFFF, s22;
	s21 =	simm.s32 $0x1C020;
	p2 =	por $0x1, $0x1;
	(xrf0) =	vadd.scan.msk.s32 $0xffff, v9;
	vm0 =	vgt.s32 v8, v7  }
0x20b: {  	_ = 	snop  }
0x20c: {  	v8 =	vld [tilespmem:s21+$0x0];
	p1 =	sne.s32 s20, $0x1  }
.Ltmp55:
0x20d: {  	_ = 	snop;
	(pc) =	sbr.rel @!p1 .LBB2_36-.Ltmp55, $3  }
0x20e: {  	_ =	sdelay $0x1  }
0x20f: {  	v9 =	vsel vm0, $0x1, v1;
	v10, _, _ =	vpop (xrf0)  }
0x210: {  	s20 =	sadd.s32 $0xFFFFFFFF, s20;
	s21 =	simm.s32 $0x1C030;
	p3 =	por $0x1, $0x1;
	(xrf0) =	vadd.scan.msk.s32 $0xffff, v9;
	vm0 =	vgt.s32 v8, v7;
	(v2sf) =	vpush v10, $0xF  }
0x211: {  	_ =	sdelay $0x4  }
0x212: {  	v10, _, _ =	vpop (xrf0)  }
0x213: {  	(v2sf) =	vpush v10, $0xF;
	_ =	sdelay $0x3  }
0x214: {  	v8 =	vld [tilespmem:s21+$0x0];
	p1 =	sne.s32 s20, $0x1  }
.Ltmp56:
0x215: {  	_ = 	snop;
	(pc) =	sbr.rel @!p1 .LBB2_38-.Ltmp56, $3  }
0x216: {  	_ =	sdelay $0x1  }
0x217: {  	v9 =	vsel vm0, $0x1, v1  }
0x218: {  	s20 =	sadd.s32 $0xFFFFFFFF, s20;
	s21 =	simm.s32 $0x1C040;
	p4 =	por $0x1, $0x1;
	(xrf0) =	vadd.scan.msk.s32 $0xffff, v9;
	vm0 =	vgt.s32 v8, v7  }
0x219: {  	_ =	sdelay $0x4  }
0x21a: {  	v10, _, _ =	vpop (xrf0)  }
0x21b: {  	(v2sf) =	vpush v10, $0xF;
	_ =	sdelay $0x2  }
0x21c: {  	v8 =	vld [tilespmem:s21+$0x0];
	p1 =	sne.s32 s20, $0x1;
	v9 =	vsel vm0, $0x1, v1  }
.Ltmp57:
0x21d: {  	(xrf0) =	vadd.scan.msk.s32 $0xffff, v9;
	(pc) =	sbr.rel @!p1 .LBB2_40-.Ltmp57, $3  }
0x21e: {  	_ =	sdelay $0x1  }
0x21f: {  	s22 =	sadd.s32 $0xFFFFFFFF, s20;
	s23 =	simm.s32 $0x1C050  }
0x220: {  	s21 =	spop (v2sf);
	p5 =	por $0x1, $0x1;
	s20 =	simm.s32 $0x0;
	vm0 =	vgt.s32 v8, v7  }
.LBB2_41:
0x221: {  	v8 =	vld [tilespmem:s23+$0x0];
	p1 =	sne.s32 s22, $0x1;
	s22 =	sadd.s32 $0xFFFFFFFF, s22;
	v10 =	vsel vm0, $0x1, v1;
	s20 =	sadd.s32 s20, s21  }
.Ltmp58:
0x222: {  	(xrf0) =	vadd.scan.msk.s32 $0xffff, v10;
	v9, _, _ =	vpop (xrf0);
	(pc) =	sbr.rel @p1 .LBB2_41-.Ltmp58, $2  }
0x223: {  	(v2sf) =	vpush v9, $0xF;
	_ =	sdelay $0x3  }
0x224: {  	s23 =	sadd.s32 $0x10, s23;
	vm0 =	vgt.s32 v8, v7;
	s21 =	spop (v2sf)  }
0x225: {  	_ = 	snop  }
.LBB2_43:
0x226: {  	v8 =	vsel vm0, $0x1, v1  }
0x227: {  	(xrf0) =	vadd.scan.msk.s32 $0xffff, v8;
	_ =	sdelay $0x2  }
0x228: {  	v8, _, _ =	vpop @p2 (xrf0)  }
0x229: {  	(v2sf) =	vpush @p2 v8, $0xF;
	_ =	sdelay $0x1  }
0x22a: {  	v8, _, _ =	vpop (xrf0)  }
0x22b: {  	(v2sf) =	vpush v8, $0xF;
	_ =	sdelay $0x7  }
0x22c: {  	s22 =	spop @p4 (v2sf);
	s20 =	sadd.s32 @p5 s20, s21;
	s21 =	simm.s32 $0x0  }
0x22d: {  	s22 =	smov.u32 @p4 s22;
	s21 =	smov.u32 @p5 s20  }
0x22e: {  	s20 =	sadd.s32 @p4 s21, s22;
	s22 =	simm.s32 $0x0;
	s21 =	spop @p3 (v2sf)  }
0x22f: {  	s22 =	smov.u32 @p4 s20;
	s21 =	smov.u32 @p3 s21  }
0x230: {  	s20 =	sadd.s32 @p3 s22, s21;
	s22 =	simm.s32 $0x0;
	s21 =	spop @p2 (v2sf)  }
.Ltmp59:
0x231: {  	s22 =	smov.u32 @p3 s20;
	s21 =	smov.u32 @p2 s21;
	(pc) =	sbr.rel .LBB2_27-.Ltmp59, $4  }
0x232: {  	s20 =	sadd.s32 @p2 s22, s21  }
0x233: {  	s19 =	smov.u32 @p2 s20;
	s31 =	spop (v2sf)  }
0x234: {  	s19 =	sadd.s32 s19, s31  }
0x235: {  	s20 =	simm.s32 $0x0;
	s19 =	ssub.s32 $0x40, s19  }
.LBB2_78:
0x236: {  	s20 =	simm.s32 $0x1C000  }
0x237: {  	v8 =	vld [tilespmem:s20+$0x0]  }
.Ltmp60:
0x238: {  	_ = 	snop;
	(pc) =	sbr.rel @!p1 .LBB2_79-.Ltmp60, $3  }
0x239: {  	_ =	sdelay $0x1  }
0x23a: {  	v7 =	vmov s21;
	s19 =	simm.s32 $0x0;
	p2 =	por $0x0, $0x0;
	p3 =	por $0x0, $0x0  }
0x23b: {  	p4 =	por $0x0, $0x0;
	p5 =	por $0x0, $0x0;
	s20 =	simm.s32 $0x1C010;
	vm0 =	vgt.s32 v8, v7  }
0x23c: {  	v8 =	vld [tilespmem:s20+$0x0];
	p1 =	sne.s32 s22, $0x1  }
.Ltmp61:
0x23d: {  	_ = 	snop;
	(pc) =	sbr.rel @!p1 .LBB2_81-.Ltmp61, $3  }
0x23e: {  	_ =	sdelay $0x1  }
0x23f: {  	v9 =	vsel vm0, $0x1, v1  }
0x240: {  	s20 =	sadd.s32 $0xFFFFFFFF, s22;
	s21 =	simm.s32 $0x1C020;
	p2 =	por $0x1, $0x1;
	(xrf0) =	vadd.scan.msk.s32 $0xffff, v9;
	vm0 =	vgt.s32 v8, v7  }
0x241: {  	_ = 	snop  }
0x242: {  	v8 =	vld [tilespmem:s21+$0x0];
	p1 =	sne.s32 s20, $0x1  }
.Ltmp62:
0x243: {  	_ = 	snop;
	(pc) =	sbr.rel @!p1 .LBB2_83-.Ltmp62, $3  }
0x244: {  	_ =	sdelay $0x1  }
0x245: {  	v9 =	vsel vm0, $0x1, v1;
	v10, _, _ =	vpop (xrf0)  }
0x246: {  	s20 =	sadd.s32 $0xFFFFFFFF, s20;
	s21 =	simm.s32 $0x1C030;
	p3 =	por $0x1, $0x1;
	(xrf0) =	vadd.scan.msk.s32 $0xffff, v9;
	vm0 =	vgt.s32 v8, v7;
	(v2sf) =	vpush v10, $0xF  }
0x247: {  	_ =	sdelay $0x4  }
0x248: {  	v10, _, _ =	vpop (xrf0)  }
0x249: {  	(v2sf) =	vpush v10, $0xF;
	_ =	sdelay $0x3  }
0x24a: {  	v8 =	vld [tilespmem:s21+$0x0];
	p1 =	sne.s32 s20, $0x1  }
.Ltmp63:
0x24b: {  	_ = 	snop;
	(pc) =	sbr.rel @!p1 .LBB2_85-.Ltmp63, $3  }
0x24c: {  	_ =	sdelay $0x1  }
0x24d: {  	v9 =	vsel vm0, $0x1, v1  }
0x24e: {  	s20 =	sadd.s32 $0xFFFFFFFF, s20;
	s21 =	simm.s32 $0x1C040;
	p4 =	por $0x1, $0x1;
	(xrf0) =	vadd.scan.msk.s32 $0xffff, v9;
	vm0 =	vgt.s32 v8, v7  }
0x24f: {  	_ =	sdelay $0x4  }
0x250: {  	v10, _, _ =	vpop (xrf0)  }
0x251: {  	(v2sf) =	vpush v10, $0xF;
	_ =	sdelay $0x2  }
0x252: {  	v8 =	vld [tilespmem:s21+$0x0];
	p1 =	sne.s32 s20, $0x1;
	v9 =	vsel vm0, $0x1, v1  }
.Ltmp64:
0x253: {  	(xrf0) =	vadd.scan.msk.s32 $0xffff, v9;
	(pc) =	sbr.rel @!p1 .LBB2_87-.Ltmp64, $3  }
0x254: {  	_ =	sdelay $0x1  }
0x255: {  	s22 =	sadd.s32 $0xFFFFFFFF, s20;
	s23 =	simm.s32 $0x1C050  }
0x256: {  	s21 =	spop (v2sf);
	p5 =	por $0x1, $0x1;
	s20 =	simm.s32 $0x0;
	vm0 =	vgt.s32 v8, v7  }
.LBB2_88:
0x257: {  	v8 =	vld [tilespmem:s23+$0x0];
	p1 =	sne.s32 s22, $0x1;
	s22 =	sadd.s32 $0xFFFFFFFF, s22;
	v10 =	vsel vm0, $0x1, v1;
	s20 =	sadd.s32 s20, s21  }
.Ltmp65:
0x258: {  	(xrf0) =	vadd.scan.msk.s32 $0xffff, v10;
	v9, _, _ =	vpop (xrf0);
	(pc) =	sbr.rel @p1 .LBB2_88-.Ltmp65, $2  }
0x259: {  	(v2sf) =	vpush v9, $0xF;
	_ =	sdelay $0x3  }
0x25a: {  	s23 =	sadd.s32 $0x10, s23;
	vm0 =	vgt.s32 v8, v7;
	s21 =	spop (v2sf)  }
0x25b: {  	_ = 	snop  }
.LBB2_90:
0x25c: {  	v8 =	vsel vm0, $0x1, v1  }
0x25d: {  	(xrf0) =	vadd.scan.msk.s32 $0xffff, v8;
	_ =	sdelay $0x2  }
0x25e: {  	v8, _, _ =	vpop @p2 (xrf0)  }
0x25f: {  	(v2sf) =	vpush @p2 v8, $0xF;
	_ =	sdelay $0x1  }
0x260: {  	v8, _, _ =	vpop (xrf0)  }
0x261: {  	(v2sf) =	vpush v8, $0xF;
	_ =	sdelay $0x7  }
0x262: {  	s22 =	spop @p4 (v2sf);
	s20 =	sadd.s32 @p5 s20, s21;
	s21 =	simm.s32 $0x0  }
0x263: {  	s22 =	smov.u32 @p4 s22;
	s21 =	smov.u32 @p5 s20  }
0x264: {  	s20 =	sadd.s32 @p4 s21, s22;
	s22 =	simm.s32 $0x0;
	s21 =	spop @p3 (v2sf)  }
0x265: {  	s22 =	smov.u32 @p4 s20;
	s21 =	smov.u32 @p3 s21  }
0x266: {  	s20 =	sadd.s32 @p3 s22, s21;
	s22 =	simm.s32 $0x0;
	s21 =	spop @p2 (v2sf)  }
.Ltmp66:
0x267: {  	s22 =	smov.u32 @p3 s20;
	s21 =	smov.u32 @p2 s21;
	(pc) =	sbr.rel .LBB2_74-.Ltmp66, $4  }
0x268: {  	s20 =	sadd.s32 @p2 s22, s21  }
0x269: {  	s19 =	smov.u32 @p2 s20;
	s31 =	spop (v2sf)  }
0x26a: {  	s19 =	sadd.s32 s19, s31  }
0x26b: {  	s20 =	simm.s32 $0x0;
	s19 =	ssub.s32 $0x40, s19  }
.LBB2_30:
.Ltmp67:
0x26c: {  	(pc) =	sbr.rel .LBB2_47-.Ltmp67, $2  }
0x26d: {  	_ =	sdelay $0x2  }
0x26e: {  	s18 =	simm.s32 $0x0;
	s21 =	simm.s32 $0x1C480  }
.LBB2_45:
.Ltmp68:
0x26f: {  	(pc) =	sbr.rel .LBB2_47-.Ltmp68, $2  }
0x270: {  	_ =	sdelay $0x2  }
0x271: {  	s18 =	simm.s32 $0x0;
	s21 =	simm.s32 $0x1C480  }
.LBB2_92:
.Ltmp69:
0x272: {  	(pc) =	sbr.rel .LBB2_94-.Ltmp69, $2  }
0x273: {  	_ =	sdelay $0x2  }
0x274: {  	s18 =	simm.s32 $0x0;
	s21 =	simm.s32 $0x1C480  }
.LBB2_32:
.Ltmp70:
0x275: {  	(pc) =	sbr.rel .LBB2_43-.Ltmp70, $2  }
0x276: {  	_ =	sdelay $0x2  }
0x277: {  	s20 =	simm.s32 $0x0  }
.LBB2_79:
.Ltmp71:
0x278: {  	(pc) =	sbr.rel .LBB2_90-.Ltmp71, $2  }
0x279: {  	_ =	sdelay $0x2  }
0x27a: {  	s20 =	simm.s32 $0x0  }
.LBB2_34:
.Ltmp72:
0x27b: {  	(pc) =	sbr.rel .LBB2_43-.Ltmp72, $2  }
0x27c: {  	_ =	sdelay $0x2  }
0x27d: {  	s20 =	simm.s32 $0x0  }
.LBB2_81:
.Ltmp73:
0x27e: {  	(pc) =	sbr.rel .LBB2_90-.Ltmp73, $2  }
0x27f: {  	_ =	sdelay $0x2  }
0x280: {  	s20 =	simm.s32 $0x0  }
.LBB2_36:
.Ltmp74:
0x281: {  	(pc) =	sbr.rel .LBB2_43-.Ltmp74, $2  }
0x282: {  	_ =	sdelay $0x2  }
0x283: {  	s20 =	simm.s32 $0x0  }
.LBB2_83:
.Ltmp75:
0x284: {  	(pc) =	sbr.rel .LBB2_90-.Ltmp75, $2  }
0x285: {  	_ =	sdelay $0x2  }
0x286: {  	s20 =	simm.s32 $0x0  }
.LBB2_38:
.Ltmp76:
0x287: {  	(pc) =	sbr.rel .LBB2_43-.Ltmp76, $2  }
0x288: {  	_ =	sdelay $0x2  }
0x289: {  	s20 =	simm.s32 $0x0  }
.LBB2_85:
.Ltmp77:
0x28a: {  	(pc) =	sbr.rel .LBB2_90-.Ltmp77, $2  }
0x28b: {  	_ =	sdelay $0x2  }
0x28c: {  	s20 =	simm.s32 $0x0  }
.LBB2_40:
.Ltmp78:
0x28d: {  	(pc) =	sbr.rel .LBB2_43-.Ltmp78, $2  }
0x28e: {  	_ =	sdelay $0x2  }
0x28f: {  	s20 =	simm.s32 $0x0  }
.LBB2_87:
.Ltmp79:
0x290: {  	(pc) =	sbr.rel .LBB2_90-.Ltmp79, $2  }
0x291: {  	_ =	sdelay $0x2  }
0x292: {  	s20 =	simm.s32 $0x0  }
.LBB2_96:
0x293: {  	_ =	sfence.sel $0x180000  }
0x294: {  	[bflag:$0x0] =	sbarrier.arrive $0xFFFF  }
0x295: {  	p0 =	sne.s32 s1, $0x0;
	_ =	strace $0x90000047  }
0x296: {  	s0 =	sadd.s32 @!p0 $0x100000, s0;
	[bflag:$0x2] =	sbarrier.arrive $0xFFFF  }
0x297: {  	[sflag:s0] =	ssyncadd.tile.s32 @!p0 $0x1;
	_ =	shalt  }
.Lfunc_end2:
_tile_overlayer_lowered:
.L_overlay_start_2:
0x298: {  	(tag) =	ssettag $0x2  }
0x299: {  	s0 =	rddreg [dreg:$0x0];
	s2 =	stileid.u32  }
0x29a: {  	s1 =	rddreg [dreg:$0x1];
	p0 =	sne.s32 s2, $0x0  }
0x29b: {  	s3 =	rddreg [dreg:$0x2];
	[bflag:$0x3] =	sbarrier.arrive $0xFFFF;
	s2 =	simm.s32 @!p0 $0x1C01  }
0x29c: {  	[timem:s3], [sflag:s2] =	dma.local @!p0 [hbm:s0], s1  }
0x29d: {  	s0 =	simm.s32 @!p0 $0x1  }
0x29e: {  	_ =	swait.ge @!p0 [sflag:s0], s1  }
0x29f: {  	s1 =	ssub.s32 @!p0 $0x0, s1;
	[sflag:s0] =	ssyncset.done @!p0 $0x0  }
0x2a0: {  	[sflag:s0] =	ssyncadd.s32 @!p0 s1  }
0x2a1: {  	[bflag:$0x3] =	sbarrier.arrive $0xFFFF  }
0x2a2: {  	_ =	shalt  }

</sc_bundles>
